<compile_context>
chip_gen: v7x
topology: tpu7x:2x2x1
jax: 0.10.2.dev20260603
libtpu: 0.0.44.dev20260713+nightly
codegen_flags: <defaults>
</compile_context>

<pallas_src>
import functools

import jax
import jax.numpy as jnp
from jax import lax
from jax.experimental import pallas as pl
from jax.experimental.pallas import tpu as pltpu
from jax.experimental.pallas import tpu_sc as plsc

N_NODE = 50000
D_IN = 128
NGRP = 2
GW = 64
EP = 303104
NROW_E = EP // 128
NBLK_F = NROW_E // 16
NBLK_D = NROW_E // 32
NP = 50176
RPT = NP // 16
ZCH = 56
ZCHF = 112


def _sc_feat_body(x2s, src2, dstp, acc_out,
                  sidx_v, didx_v, rows_v, zbuf, acc_sh,
                  si0, si1, si2, si3, sg0, sg1, sg2, sg3):
    c = lax.axis_index("c")
    s = lax.axis_index("s")
    row0 = s * RPT
    sis = (si0, si1, si2, si3)
    sgs = (sg0, sg1, sg2, sg3)

    z32 = jnp.zeros((32,), jnp.bfloat16)

    def fill_z(r, _):
        zbuf[r, 0:32] = z32
        zbuf[r, 32:64] = z32
        return 0
    lax.fori_loop(0, ZCH, fill_z, 0)

    def zb(i, _):
        pltpu.sync_copy(zbuf, acc_sh.at[pl.ds(row0 + i * ZCH, ZCH)])
        return 0
    lax.fori_loop(0, RPT // ZCH, zb, 0)
    plsc.subcore_barrier()

    brow = s * NBLK_F
    ngroups = NBLK_F // 4

    def idx_start(k, half, j):
        r = brow + 4 * k + j
        pltpu.async_copy(src2.at[c, r], sidx_v.at[half + j], sis[j])
        pltpu.async_copy(dstp.at[r], didx_v.at[half + j], sis[j])

    def idx_wait(k, half, j):
        r = brow + 4 * k + j
        pltpu.make_async_copy(src2.at[c, r], sidx_v.at[half + j],
                              sis[j]).wait()
        pltpu.make_async_copy(dstp.at[r], didx_v.at[half + j],
                              sis[j]).wait()

    def gstart(j, rs, sem):
        pltpu.async_copy(x2s.at[sidx_v.at[j]], rows_v.at[rs], sem)

    def gwait(j, rs, sem):
        pltpu.make_async_copy(x2s.at[sidx_v.at[j]], rows_v.at[rs],
                              sem).wait()

    def scat(j, rs):
        pltpu.sync_copy(rows_v.at[rs], acc_sh.at[didx_v.at[j]], add=True)

    for j in range(4):
        idx_start(0, 0, j)

    def body(k, _):
        half = (k % 2) * 4
        nhalf = 4 - half
        for j in range(4):
            idx_wait(k, half, j)
            gstart(half + j, j, sgs[j])

        @pl.when(k + 1 < ngroups)
        def _():
            for j in range(4):
                idx_start(k + 1, nhalf, j)

        for j in range(4):
            gwait(half + j, j, sgs[j])
            scat(half + j, j)
        return 0
    lax.fori_loop(0, ngroups, body, 0)
    plsc.subcore_barrier()
    pltpu.sync_copy(acc_sh.at[pl.ds(row0, RPT)],
                    acc_out.at[c, pl.ds(row0, RPT)])


def _sc_deg_body(dstp, deg_out, didx_v, zbuff, obuf, deg_sh, si0, si1):
    c = lax.axis_index("c")
    s = lax.axis_index("s")
    row0 = s * RPT
    sis = (si0, si1)

    zf16 = jnp.zeros((16,), jnp.float32)
    o16 = jnp.ones((16,), jnp.float32)

    def fill_zf(r, _):
        zbuff[r, 0:16] = zf16
        return 0
    lax.fori_loop(0, ZCHF, fill_zf, 0)

    def fill_o(r, _):
        obuf[r, 0:16] = o16
        return 0
    lax.fori_loop(0, 128, fill_o, 0)

    def zb(i, _):
        pltpu.sync_copy(zbuff, deg_sh.at[pl.ds(row0 + i * ZCHF, ZCHF)])
        return 0
    lax.fori_loop(0, RPT // ZCHF, zb, 0)
    plsc.subcore_barrier()
    drow = c * (NROW_E // 2) + s * NBLK_D

    def dstart(k, j):
        pltpu.async_copy(dstp.at[drow + 2 * k + j], didx_v.at[j], sis[j])

    def dwait(k, j):
        pltpu.make_async_copy(dstp.at[drow + 2 * k + j], didx_v.at[j],
                              sis[j]).wait()

    def dblk(k, _):
        dstart(k, 0)
        dstart(k, 1)
        dwait(k, 0)
        pltpu.sync_copy(obuf, deg_sh.at[didx_v.at[0]], add=True)
        dwait(k, 1)
        pltpu.sync_copy(obuf, deg_sh.at[didx_v.at[1]], add=True)
        return 0
    lax.fori_loop(0, NBLK_D // 2, dblk, 0)
    plsc.subcore_barrier()
    pltpu.sync_copy(deg_sh.at[pl.ds(row0, RPT)],
                    deg_out.at[c, pl.ds(row0, RPT)])


@functools.cache
def _sc_scatter():
  return pl.kernel(
    _sc_feat_body,
    out_type=jax.ShapeDtypeStruct((NGRP, NP, GW), jnp.bfloat16),
    mesh=plsc.VectorSubcoreMesh(core_axis_name="c", subcore_axis_name="s",
                                num_cores=2, num_subcores=16),
    scratch_types=[
        pltpu.VMEM((8, 128), jnp.int32),
        pltpu.VMEM((8, 128), jnp.int32),
        pltpu.VMEM((4, 128, GW), jnp.bfloat16),
        pltpu.VMEM((ZCH, GW), jnp.bfloat16),
        pltpu.VMEM_SHARED((NP, GW), jnp.bfloat16),
        pltpu.SemaphoreType.DMA,
        pltpu.SemaphoreType.DMA,
        pltpu.SemaphoreType.DMA,
        pltpu.SemaphoreType.DMA,
        pltpu.SemaphoreType.DMA,
        pltpu.SemaphoreType.DMA,
        pltpu.SemaphoreType.DMA,
        pltpu.SemaphoreType.DMA,
    ],
    compiler_params=pltpu.CompilerParams(use_tc_tiling_on_sc=False),
  )


@functools.cache
def _sc_degree():
  return pl.kernel(
    _sc_deg_body,
    out_type=jax.ShapeDtypeStruct((2, NP, 16), jnp.float32),
    mesh=plsc.VectorSubcoreMesh(core_axis_name="c", subcore_axis_name="s",
                                num_cores=2, num_subcores=16),
    scratch_types=[
        pltpu.VMEM((2, 128), jnp.int32),
        pltpu.VMEM((ZCHF, 16), jnp.float32),
        pltpu.VMEM((128, 16), jnp.float32),
        pltpu.VMEM_SHARED((NP, 16), jnp.float32),
        pltpu.SemaphoreType.DMA,
        pltpu.SemaphoreType.DMA,
    ],
    compiler_params=pltpu.CompilerParams(use_tc_tiling_on_sc=False),
  )


BLK = 1024
_GRID = NP // BLK
DROW = BLK // 128


def _tc_body(x_ref, acc_ref, deg_ref,
             wself_ref, bself_ref, wconv_ref, bconv_ref,
             wq_ref, bq_ref, wk_ref, bk_ref,
             wal_ref, bal_ref, war_ref, bar_ref,
             wcls_ref, bcls_ref, out_ref):
    f32 = jnp.float32
    x = x_ref[...]
    z = jnp.dot(x, wself_ref[...], preferred_element_type=f32) + bself_ref[...]
    wconv = wconv_ref[...]
    acc = acc_ref[...].astype(f32)
    t = jnp.dot(acc[0], wconv[0:GW, :], preferred_element_type=f32)
    for g in range(1, NGRP):
        t = t + jnp.dot(acc[g], wconv[g * GW:(g + 1) * GW, :],
                        preferred_element_type=f32)
    degf = deg_ref[0] + deg_ref[1]
    deg1 = jnp.sum(degf, axis=1, keepdims=True) * (1.0 / 16.0)
    rdeg = 1.0 / jnp.maximum(deg1, 1.0)
    d = t * rdeg + bconv_ref[...]
    wal = wal_ref[...]
    war = war_ref[...]
    wkal = jnp.sum(wk_ref[...] * wal, axis=1)
    wqar = jnp.sum(wq_ref[...] * war, axis=1)
    cl = jnp.sum(bk_ref[...] * wal, axis=1, keepdims=True) + bal_ref[...]
    cr = jnp.sum(bq_ref[...] * war, axis=1, keepdims=True) + bar_ref[...]
    col = lax.broadcasted_iota(jnp.int32, (D_IN, D_IN), 1)
    m2 = (jnp.where(col == 0, wkal[:, None], 0.0)
          + jnp.where(col == 1, wqar[:, None], 0.0))
    hz = jnp.dot(z, m2, preferred_element_type=f32)
    hd = jnp.dot(d, m2, preferred_element_type=f32)
    hl = hz[:, 0:1] + cl
    hr = hz[:, 1:2] + cr
    ha = hd[:, 0:1] + cl

    def elu(v):
        return jnp.where(v > 0, v, jnp.exp(v) - 1.0)

    a0 = elu(hl + hr)
    a1 = elu(ha + hr)
    mx = jnp.maximum(a0, a1)
    e0 = jnp.exp(a0 - mx)
    e1 = jnp.exp(a1 - mx)
    inv = 1.0 / (e0 + e1)
    rst = z * (e0 * inv) + d * (e1 * inv)
    out_ref[...] = (jnp.dot(rst, wcls_ref[...], preferred_element_type=f32)
                    + bcls_ref[...])


def _full(shape):
    return pl.BlockSpec(shape, lambda i: (0,) * len(shape))


_tc_epilogue = pl.pallas_call(
    _tc_body,
    grid=(_GRID,),
    in_specs=[
        pl.BlockSpec((BLK, D_IN), lambda i: (i, 0)),
        pl.BlockSpec((NGRP, BLK, GW), lambda i: (0, i, 0)),
        pl.BlockSpec((2, BLK, 16), lambda i: (0, i, 0)),
        _full((D_IN, D_IN)), _full((1, D_IN)),
        _full((D_IN, D_IN)), _full((1, D_IN)),
        _full((D_IN, D_IN)), _full((1, D_IN)),
        _full((D_IN, D_IN)), _full((1, D_IN)),
        _full((1, D_IN)), _full((1, 1)),
        _full((1, D_IN)), _full((1, 1)),
        _full((D_IN, 16)), _full((1, 16)),
    ],
    out_specs=pl.BlockSpec((BLK, 16), lambda i: (i, 0)),
    out_shape=jax.ShapeDtypeStruct((N_NODE, 16), jnp.float32),
)


def kernel(x_paper, x_author, edge_index_writes, edge_index_written_by,
           Wself_paper, bself_paper, Wself_author, bself_author,
           Wq_paper, bq_paper, Wk_paper, bk_paper,
           Wq_author, bq_author, Wk_author, bk_author,
           Wal_paper, bal_paper, Wal_author, bal_author,
           War_paper, bar_paper, War_author, bar_author,
           Wconv_writes, bconv_writes, Wconv_written_by, bconv_written_by,
           Wcls, bcls):
    e = edge_index_writes.shape[1]
    src = edge_index_writes[0]
    dst = edge_index_writes[1]
    npad = EP - e
    pad_src = jnp.arange(npad, dtype=jnp.int32) % N_NODE
    pad_dst = N_NODE + jnp.arange(npad, dtype=jnp.int32) % (NP - N_NODE)
    srcp = jnp.concatenate([src.astype(jnp.int32), pad_src])
    dstp = jnp.concatenate([dst.astype(jnp.int32), pad_dst])
    src2 = (srcp[None, :] * NGRP
            + jnp.arange(NGRP, dtype=jnp.int32)[:, None]).reshape(
                NGRP, NROW_E, 128)
    x2s = x_author.astype(jnp.bfloat16).reshape(NGRP * N_NODE, GW)

    dstr = dstp.reshape(NROW_E, 128)
    acc2 = _sc_scatter()(x2s, src2, dstr)
    deg2 = _sc_degree()(dstr)

    logits = _tc_epilogue(
        x_paper, acc2, deg2,
        Wself_paper, bself_paper.reshape(1, D_IN),
        Wconv_writes, bconv_writes.reshape(1, D_IN),
        Wq_paper, bq_paper.reshape(1, D_IN),
        Wk_paper, bk_paper.reshape(1, D_IN),
        Wal_paper.reshape(1, D_IN), bal_paper.reshape(1, 1),
        War_paper.reshape(1, D_IN), bar_paper.reshape(1, 1),
        Wcls, bcls.reshape(1, 16),
    )
    return logits

# --- scband reference (transcript-rebuilt; emitter-appended) ---
"""Pipeline reference for scband-ie-hgcn-5583457485247 (READ-ONLY COPY).

The authoritative reference and input builder live on the scoring server;
editing this copy changes nothing except your own understanding.
"""

import jax, jax.numpy as jnp
import numpy as np

N_PAPER = 50000
N_AUTHOR = 50000
E = 300000
D_IN = 128
D_OUT = 128
D_ATTN = 128
N_CLASSES = 16


def _graph_conv(x_src, edge_index, W, b, num_dst):
    # DGL GraphConv(norm='right', weight=True, bias=True, allow_zero_in_degree=True)
    m = x_src @ W
    src = edge_index[0]
    dst = edge_index[1]
    agg = jax.ops.segment_sum(m[src], dst, num_segments=num_dst)
    ones = jnp.ones((edge_index.shape[1],), dtype=m.dtype)
    deg = jax.ops.segment_sum(ones, dst, num_segments=num_dst)
    deg = jnp.maximum(deg, 1.0)
    return agg / deg[:, None] + b


def setup_inputs(seed: int = 0):
    key = jax.random.key(seed)
    ks = jax.random.split(key, 40)
    s = 0.02
    inp = {}
    inp['x_paper'] = jax.random.normal(ks[0], (N_PAPER, D_IN), dtype=jnp.float32)
    inp['x_author'] = jax.random.normal(ks[1], (N_AUTHOR, D_IN), dtype=jnp.float32)
    # canonical etypes: (author, writes, paper), (paper, written_by, author)
    inp['edge_index_writes'] = jnp.stack([
        jax.random.randint(ks[2], (E,), 0, N_AUTHOR, dtype=jnp.int32),
        jax.random.randint(ks[3], (E,), 0, N_PAPER, dtype=jnp.int32)])
    inp['edge_index_written_by'] = jnp.stack([
        jax.random.randint(ks[4], (E,), 0, N_PAPER, dtype=jnp.int32),
        jax.random.randint(ks[5], (E,), 0, N_AUTHOR, dtype=jnp.int32)])
    # W_self (HeteroLinear per ntype)
    inp['Wself_paper'] = s * jax.random.normal(ks[6], (D_IN, D_OUT), dtype=jnp.float32)
    inp['bself_paper'] = jnp.zeros((D_OUT,), dtype=jnp.float32)
    inp['Wself_author'] = s * jax.random.normal(ks[7], (D_IN, D_OUT), dtype=jnp.float32)
    inp['bself_author'] = jnp.zeros((D_OUT,), dtype=jnp.float32)
    # linear_q / linear_k per ntype
    inp['Wq_paper'] = s * jax.random.normal(ks[8], (D_OUT, D_ATTN), dtype=jnp.float32)
    inp['bq_paper'] = jnp.zeros((D_ATTN,), dtype=jnp.float32)
    inp['Wk_paper'] = s * jax.random.normal(ks[9], (D_OUT, D_ATTN), dtype=jnp.float32)
    inp['bk_paper'] = jnp.zeros((D_ATTN,), dtype=jnp.float32)
    inp['Wq_author'] = s * jax.random.normal(ks[10], (D_OUT, D_ATTN), dtype=jnp.float32)
    inp['bq_author'] = jnp.zeros((D_ATTN,), dtype=jnp.float32)
    inp['Wk_author'] = s * jax.random.normal(ks[11], (D_OUT, D_ATTN), dtype=jnp.float32)
    inp['bk_author'] = jnp.zeros((D_ATTN,), dtype=jnp.float32)
    # W_al / W_ar (HeteroLinear attn_size -> 1 per ntype)
    inp['Wal_paper'] = s * jax.random.normal(ks[12], (D_ATTN, 1), dtype=jnp.float32)
    inp['bal_paper'] = jnp.zeros((1,), dtype=jnp.float32)
    inp['Wal_author'] = s * jax.random.normal(ks[13], (D_ATTN, 1), dtype=jnp.float32)
    inp['bal_author'] = jnp.zeros((1,), dtype=jnp.float32)
    inp['War_paper'] = s * jax.random.normal(ks[14], (D_ATTN, 1), dtype=jnp.float32)
    inp['bar_paper'] = jnp.zeros((1,), dtype=jnp.float32)
    inp['War_author'] = s * jax.random.normal(ks[15], (D_ATTN, 1), dtype=jnp.float32)
    inp['bar_author'] = jnp.zeros((1,), dtype=jnp.float32)
    # GraphConv weights per etype
    inp['Wconv_writes'] = s * jax.random.normal(ks[16], (D_IN, D_OUT), dtype=jnp.float32)
    inp['bconv_writes'] = jnp.zeros((D_OUT,), dtype=jnp.float32)
    inp['Wconv_written_by'] = s * jax.random.normal(ks[17], (D_IN, D_OUT), dtype=jnp.float32)
    inp['bconv_written_by'] = jnp.zeros((D_OUT,), dtype=jnp.float32)
    # classifier
    inp['Wcls'] = s * jax.random.normal(ks[18], (D_OUT, N_CLASSES), dtype=jnp.float32)
    inp['bcls'] = jnp.zeros((N_CLASSES,), dtype=jnp.float32)
    return inp


def reference(x_paper, x_author, edge_index_writes, edge_index_written_by,
              Wself_paper, bself_paper, Wself_author, bself_author,
              Wq_paper, bq_paper, Wk_paper, bk_paper,
              Wq_author, bq_author, Wk_author, bk_author,
              Wal_paper, bal_paper, Wal_author, bal_author,
              War_paper, bar_paper, War_author, bar_author,
              Wconv_writes, bconv_writes, Wconv_written_by, bconv_written_by,
              Wcls, bcls):
    elu = jax.nn.elu
    # W_self
    z_p = x_paper @ Wself_paper + bself_paper
    z_a = x_author @ Wself_author + bself_author
    # query/key per ntype
    q_p = z_p @ Wq_paper + bq_paper
    k_p = z_p @ Wk_paper + bk_paper
    q_a = z_a @ Wq_author + bq_author
    k_a = z_a @ Wk_author + bk_author
    hl_p = k_p @ Wal_paper + bal_paper
    hr_p = q_p @ War_paper + bar_paper
    hl_a = k_a @ Wal_author + bal_author
    hr_a = q_a @ War_author + bar_author
    att_p0 = elu(hl_p + hr_p)
    att_a0 = elu(hl_a + hr_a)
    # relation (author, writes, paper)
    d_wp = _graph_conv(x_author, edge_index_writes, Wconv_writes, bconv_writes, x_paper.shape[0])
    attn_kp = d_wp @ Wk_paper + bk_paper
    h_attn_p = attn_kp @ Wal_paper + bal_paper
    att_p1 = elu(h_attn_p + hr_p)
    # relation (paper, written_by, author)
    d_wa = _graph_conv(x_paper, edge_index_written_by, Wconv_written_by, bconv_written_by, x_author.shape[0])
    attn_ka = d_wa @ Wk_author + bk_author
    h_attn_a = attn_ka @ Wal_author + bal_author
    att_a1 = elu(h_attn_a + hr_a)
    # softmax over relation axis (incl. self)
    att_p = jax.nn.softmax(jnp.stack([att_p0, att_p1], axis=0), axis=0)
    att_a = jax.nn.softmax(jnp.stack([att_a0, att_a1], axis=0), axis=0)
    rst_p = z_p * att_p[0] + d_wp * att_p[1]
    rst_a = z_a * att_a[0] + d_wa * att_a[1]
    # single layer -> classifier on target ntype 'paper'
    logits = rst_p @ Wcls + bcls
    return logits

if __name__ == "__main__":
    import jax
    _d = setup_inputs()
    print(jax.jit(kernel)(*tuple(_d.values())))

</pallas_src>

<mosaic_0001>
#map = affine_map<(d0, d1) -> (0, 0)>
#map1 = affine_map<(d0, d1) -> (0, 0, 0)>
module attributes {stable_mosaic.version = 14 : i64} {
  func.func @_sc_deg_body(%arg0: i32, %arg1: i32, %arg2: memref<2368x128xi32, #tpu.memory_space<hbm>>, %arg3: memref<2x50176x16xf32, #tpu.memory_space<hbm>>, %arg4: memref<2x128xi32, #tpu.memory_space<vmem>>, %arg5: memref<112x16xf32, #tpu.memory_space<vmem>>, %arg6: memref<128x16xf32, #tpu.memory_space<vmem>>, %arg7: memref<50176x16xf32, #tpu.memory_space<vmem_shared>>, %arg8: memref<!tpu.dma_semaphore, #tpu.memory_space<semaphore_mem>>, %arg9: memref<!tpu.dma_semaphore, #tpu.memory_space<semaphore_mem>>) attributes {dimension_semantics = [#tpu.dimension_semantics<core_parallel>, #tpu.dimension_semantics<subcore_parallel>], iteration_bounds = array<i64: 2, 16>, scalar_prefetch = 0 : i64, scratch_operands = 6 : i64, tpu.core_type = #tpu.core_type<sc_vector_subcore>, window_params = [{transform_indices = #map}, {transform_indices = #map1}]} {
    %mul3A = arith.constant 3136 : i32
    %mul3A_0 = arith.muli %arg1, %mul3A : i32
    %broadcast_in_dim3A = arith.constant 0.000000e+00 : f32
    %broadcast_in_dim3A_1 = vector.broadcast %broadcast_in_dim3A : f32 to vector<16xf32>
    %broadcast_in_dim3A_2 = arith.constant 1.000000e+00 : f32
    %broadcast_in_dim3A_3 = vector.broadcast %broadcast_in_dim3A_2 : f32 to vector<16xf32>
    %scan3A = arith.constant 0 : i32
    %scan3A_4 = arith.constant 0 : i32
    %scan3A_5 = arith.constant 112 : i32
    %scan3A_6 = arith.addi %scan3A_4, %scan3A_5 : i32
    %scan3A_7 = arith.constant 1 : i32
    %scan3A_8 = scf.for %scan3A_36 = %scan3A_4 to %scan3A_6 step %scan3A_7 iter_args(%scan3A_37 = %scan3A) -> (i32)  : i32 {
      %swap3A = arith.index_cast %scan3A_36 : i32 to index
      %swap3A_38 = arith.constant 0 : index
      %swap3A_39 = tpu.vector_load %arg5[%swap3A, %swap3A_38] {strides = array<i32>} : memref<112x16xf32, #tpu.memory_space<vmem>>, vector<1x16xf32>,
      %swap3A_40 = vector.shape_cast %swap3A_39 : vector<1x16xf32> to vector<16xf32>
      %swap3A_41 = vector.shape_cast %broadcast_in_dim3A_1 : vector<16xf32> to vector<1x16xf32>
      tpu.vector_store %arg5[%swap3A, %swap3A_38], %swap3A_41 {strides = array<i32>} : memref<112x16xf32, #tpu.memory_space<vmem>>, vector<1x16xf32>,
      %scan3A_42 = arith.constant 0 : i32
      scf.yield %scan3A_42 : i32
    }
    %scan3A_9 = arith.constant 112 : i32
    %scan3A_10 = arith.constant 0 : i32
    %scan3A_11 = arith.constant 0 : i32
    %scan3A_12 = arith.constant 128 : i32
    %scan3A_13 = arith.addi %scan3A_11, %scan3A_12 : i32
    %scan3A_14 = arith.constant 1 : i32
    %scan3A_15 = scf.for %scan3A_36 = %scan3A_11 to %scan3A_13 step %scan3A_14 iter_args(%scan3A_37 = %scan3A_10) -> (i32)  : i32 {
      %swap3A = arith.index_cast %scan3A_36 : i32 to index
      %swap3A_38 = arith.constant 0 : index
      %swap3A_39 = tpu.vector_load %arg6[%swap3A, %swap3A_38] {strides = array<i32>} : memref<128x16xf32, #tpu.memory_space<vmem>>, vector<1x16xf32>,
      %swap3A_40 = vector.shape_cast %swap3A_39 : vector<1x16xf32> to vector<16xf32>
      %swap3A_41 = vector.shape_cast %broadcast_in_dim3A_3 : vector<16xf32> to vector<1x16xf32>
      tpu.vector_store %arg6[%swap3A, %swap3A_38], %swap3A_41 {strides = array<i32>} : memref<128x16xf32, #tpu.memory_space<vmem>>, vector<1x16xf32>,
      %scan3A_42 = arith.constant 0 : i32
      scf.yield %scan3A_42 : i32
    }
    %scan3A_16 = arith.constant 128 : i32
    %scan3A_17 = arith.constant 0 : i32
    %scan3A_18 = arith.constant 0 : i32
    %scan3A_19 = arith.constant 28 : i32
    %scan3A_20 = arith.addi %scan3A_18, %scan3A_19 : i32
    %scan3A_21 = arith.constant 1 : i32
    %scan3A_22 = scf.for %scan3A_36 = %scan3A_18 to %scan3A_20 step %scan3A_21 iter_args(%scan3A_37 = %scan3A_17) -> (i32)  : i32 {
      %mul3A_38 = arith.constant 112 : i32
      %mul3A_39 = arith.muli %scan3A_36, %mul3A_38 : i32
      %add3A_40 = arith.addi %mul3A_0, %mul3A_39 : i32
      "tpu.region"() ({
        %run_scoped3A = tpu.sem_alloc : memref<!tpu.dma_semaphore, #tpu.memory_space<semaphore_mem>>
        %dma_start3A = arith.constant 0 : i32
        %dma_start3A_42 = tpu.memref_slice %arg7[%add3A_40, %dma_start3A] : memref<50176x16xf32, #tpu.memory_space<vmem_shared>> -> memref<112x16xf32, #tpu.memory_space<vmem_shared>>
        %dma_start3A_43 = arith.constant 0 : i32
        %dma_start3A_44 = tpu.memref_slice %arg7[%add3A_40, %dma_start3A_43] : memref<50176x16xf32, #tpu.memory_space<vmem_shared>> -> memref<112x16xf32, #tpu.memory_space<vmem_shared>>
        tpu.enqueue_dma source(%arg5 : memref<112x16xf32, #tpu.memory_space<vmem>>) target(%dma_start3A_44 : memref<112x16xf32, #tpu.memory_space<vmem_shared>>) target_semaphore(%run_scoped3A : memref<!tpu.dma_semaphore, #tpu.memory_space<semaphore_mem>>)
        %dma_wait3A = arith.constant 0 : i32
        %dma_wait3A_45 = tpu.memref_slice %arg7[%add3A_40, %dma_wait3A] : memref<50176x16xf32, #tpu.memory_space<vmem_shared>> -> memref<112x16xf32, #tpu.memory_space<vmem_shared>>
        %dma_wait3A_46 = arith.constant 0 : i32
        %dma_wait3A_47 = tpu.memref_slice %arg7[%add3A_40, %dma_wait3A_46] : memref<50176x16xf32, #tpu.memory_space<vmem_shared>> -> memref<112x16xf32, #tpu.memory_space<vmem_shared>>
        tpu.wait_dma2 semaphore(%run_scoped3A : memref<!tpu.dma_semaphore, #tpu.memory_space<semaphore_mem>>) src(%arg5 : memref<112x16xf32, #tpu.memory_space<vmem>>) dst(%dma_wait3A_47 : memref<112x16xf32, #tpu.memory_space<vmem_shared>>)
        tpu.yield
      }) : () -> ()
      %scan3A_41 = arith.constant 0 : i32
      scf.yield %scan3A_41 : i32
    }
    %scan3A_23 = arith.constant 28 : i32
    %barrier3A = arith.constant 0 : index
    tpu.barrier barrier_id(%barrier3A)
    %mul3A_24 = arith.constant 1184 : i32
    %mul3A_25 = arith.muli %arg0, %mul3A_24 : i32
    %mul3A_26 = arith.constant 74 : i32
    %mul3A_27 = arith.muli %arg1, %mul3A_26 : i32
    %add3A = arith.addi %mul3A_25, %mul3A_27 : i32
    %scan3A_28 = arith.constant 0 : i32
    %scan3A_29 = arith.constant 0 : i32
    %scan3A_30 = arith.constant 37 : i32
    %scan3A_31 = arith.addi %scan3A_29, %scan3A_30 : i32
    %scan3A_32 = arith.constant 1 : i32
    %scan3A_33 = scf.for %scan3A_36 = %scan3A_29 to %scan3A_31 step %scan3A_32 iter_args(%scan3A_37 = %scan3A_28) -> (i32)  : i32 {
      %mul3A_38 = arith.constant 2 : i32
      %mul3A_39 = arith.muli %mul3A_38, %scan3A_36 : i32
      %add3A_40 = arith.addi %add3A, %mul3A_39 : i32
      %add3A_41 = arith.constant 0 : i32
      %add3A_42 = arith.addi %add3A_40, %add3A_41 : i32
      %dma_start3A = arith.constant 0 : i32
      %dma_start3A_43 = arith.constant 0 : i32
      %dma_start3A_44 = tpu.memref_slice %arg4[%dma_start3A, %dma_start3A_43] : memref<2x128xi32, #tpu.memory_space<vmem>> -> memref<1x128xi32, #tpu.memory_space<vmem>>
      %dma_start3A_45 = tpu.memref_squeeze %dma_start3A_44 : memref<1x128xi32, #tpu.memory_space<vmem>> -> memref<128xi32, #tpu.memory_space<vmem>>
      %dma_start3A_46 = arith.constant 0 : i32
      %dma_start3A_47 = tpu.memref_slice %arg2[%add3A_42, %dma_start3A_46] : memref<2368x128xi32, #tpu.memory_space<hbm>> -> memref<1x128xi32, #tpu.memory_space<hbm>>
      %dma_start3A_48 = tpu.memref_squeeze %dma_start3A_47 : memref<1x128xi32, #tpu.memory_space<hbm>> -> memref<128xi32, #tpu.memory_space<hbm>>
      %dma_start3A_49 = arith.constant 0 : i32
      %dma_start3A_50 = tpu.memref_slice %arg4[%dma_start3A, %dma_start3A_49] : memref<2x128xi32, #tpu.memory_space<vmem>> -> memref<1x128xi32, #tpu.memory_space<vmem>>
      %dma_start3A_51 = tpu.memref_squeeze %dma_start3A_50 : memref<1x128xi32, #tpu.memory_space<vmem>> -> memref<128xi32, #tpu.memory_space<vmem>>
      %dma_start3A_52 = arith.constant 0 : i32
      %dma_start3A_53 = tpu.memref_slice %arg2[%add3A_42, %dma_start3A_52] : memref<2368x128xi32, #tpu.memory_space<hbm>> -> memref<1x128xi32, #tpu.memory_space<hbm>>
      %dma_start3A_54 = tpu.memref_squeeze %dma_start3A_53 : memref<1x128xi32, #tpu.memory_space<hbm>> -> memref<128xi32, #tpu.memory_space<hbm>>
      tpu.enqueue_dma source(%dma_start3A_54 : memref<128xi32, #tpu.memory_space<hbm>>) target(%dma_start3A_51 : memref<128xi32, #tpu.memory_space<vmem>>) target_semaphore(%arg8 : memref<!tpu.dma_semaphore, #tpu.memory_space<semaphore_mem>>)
      %mul3A_55 = arith.constant 2 : i32
      %mul3A_56 = arith.muli %mul3A_55, %scan3A_36 : i32
      %add3A_57 = arith.addi %add3A, %mul3A_56 : i32
      %add3A_58 = arith.constant 1 : i32
      %add3A_59 = arith.addi %add3A_57, %add3A_58 : i32
      %dma_start3A_60 = arith.constant 1 : i32
      %dma_start3A_61 = arith.constant 0 : i32
      %dma_start3A_62 = tpu.memref_slice %arg4[%dma_start3A_60, %dma_start3A_61] : memref<2x128xi32, #tpu.memory_space<vmem>> -> memref<1x128xi32, #tpu.memory_space<vmem>>
      %dma_start3A_63 = tpu.memref_squeeze %dma_start3A_62 : memref<1x128xi32, #tpu.memory_space<vmem>> -> memref<128xi32, #tpu.memory_space<vmem>>
      %dma_start3A_64 = arith.constant 0 : i32
      %dma_start3A_65 = tpu.memref_slice %arg2[%add3A_59, %dma_start3A_64] : memref<2368x128xi32, #tpu.memory_space<hbm>> -> memref<1x128xi32, #tpu.memory_space<hbm>>
      %dma_start3A_66 = tpu.memref_squeeze %dma_start3A_65 : memref<1x128xi32, #tpu.memory_space<hbm>> -> memref<128xi32, #tpu.memory_space<hbm>>
      %dma_start3A_67 = arith.constant 0 : i32
      %dma_start3A_68 = tpu.memref_slice %arg4[%dma_start3A_60, %dma_start3A_67] : memref<2x128xi32, #tpu.memory_space<vmem>> -> memref<1x128xi32, #tpu.memory_space<vmem>>
      %dma_start3A_69 = tpu.memref_squeeze %dma_start3A_68 : memref<1x128xi32, #tpu.memory_space<vmem>> -> memref<128xi32, #tpu.memory_space<vmem>>
      %dma_start3A_70 = arith.constant 0 : i32
      %dma_start3A_71 = tpu.memref_slice %arg2[%add3A_59, %dma_start3A_70] : memref<2368x128xi32, #tpu.memory_space<hbm>> -> memref<1x128xi32, #tpu.memory_space<hbm>>
      %dma_start3A_72 = tpu.memref_squeeze %dma_start3A_71 : memref<1x128xi32, #tpu.memory_space<hbm>> -> memref<128xi32, #tpu.memory_space<hbm>>
      tpu.enqueue_dma source(%dma_start3A_72 : memref<128xi32, #tpu.memory_space<hbm>>) target(%dma_start3A_69 : memref<128xi32, #tpu.memory_space<vmem>>) target_semaphore(%arg9 : memref<!tpu.dma_semaphore, #tpu.memory_space<semaphore_mem>>)
      %mul3A_73 = arith.constant 2 : i32
      %mul3A_74 = arith.muli %mul3A_73, %scan3A_36 : i32
      %add3A_75 = arith.addi %add3A, %mul3A_74 : i32
      %add3A_76 = arith.constant 0 : i32
      %add3A_77 = arith.addi %add3A_75, %add3A_76 : i32
      %dma_wait3A = arith.constant 0 : i32
      %dma_wait3A_78 = arith.constant 0 : i32
      %dma_wait3A_79 = tpu.memref_slice %arg4[%dma_wait3A, %dma_wait3A_78] : memref<2x128xi32, #tpu.memory_space<vmem>> -> memref<1x128xi32, #tpu.memory_space<vmem>>
      %dma_wait3A_80 = tpu.memref_squeeze %dma_wait3A_79 : memref<1x128xi32, #tpu.memory_space<vmem>> -> memref<128xi32, #tpu.memory_space<vmem>>
      %dma_wait3A_81 = arith.constant 0 : i32
      %dma_wait3A_82 = tpu.memref_slice %arg2[%add3A_77, %dma_wait3A_81] : memref<2368x128xi32, #tpu.memory_space<hbm>> -> memref<1x128xi32, #tpu.memory_space<hbm>>
      %dma_wait3A_83 = tpu.memref_squeeze %dma_wait3A_82 : memref<1x128xi32, #tpu.memory_space<hbm>> -> memref<128xi32, #tpu.memory_space<hbm>>
      %dma_wait3A_84 = arith.constant 0 : i32
      %dma_wait3A_85 = tpu.memref_slice %arg4[%dma_wait3A, %dma_wait3A_84] : memref<2x128xi32, #tpu.memory_space<vmem>> -> memref<1x128xi32, #tpu.memory_space<vmem>>
      %dma_wait3A_86 = tpu.memref_squeeze %dma_wait3A_85 : memref<1x128xi32, #tpu.memory_space<vmem>> -> memref<128xi32, #tpu.memory_space<vmem>>
      %dma_wait3A_87 = arith.constant 0 : i32
      %dma_wait3A_88 = tpu.memref_slice %arg2[%add3A_77, %dma_wait3A_87] : memref<2368x128xi32, #tpu.memory_space<hbm>> -> memref<1x128xi32, #tpu.memory_space<hbm>>
      %dma_wait3A_89 = tpu.memref_squeeze %dma_wait3A_88 : memref<1x128xi32, #tpu.memory_space<hbm>> -> memref<128xi32, #tpu.memory_space<hbm>>
      tpu.wait_dma2 semaphore(%arg8 : memref<!tpu.dma_semaphore, #tpu.memory_space<semaphore_mem>>) src(%dma_wait3A_89 : memref<128xi32, #tpu.memory_space<hbm>>) dst(%dma_wait3A_86 : memref<128xi32, #tpu.memory_space<vmem>>)
      %run_scoped3A = arith.constant 0 : i32
      "tpu.region"() ({
        %run_scoped3A_110 = tpu.sem_alloc : memref<!tpu.dma_semaphore, #tpu.memory_space<semaphore_mem>>
        %dma_start3A_111 = arith.constant 0 : i32
        %dma_start3A_112 = tpu.memref_slice %arg4[%run_scoped3A, %dma_start3A_111] : memref<2x128xi32, #tpu.memory_space<vmem>> -> memref<1x128xi32, #tpu.memory_space<vmem>>
        %dma_start3A_113 = tpu.memref_squeeze %dma_start3A_112 : memref<1x128xi32, #tpu.memory_space<vmem>> -> memref<128xi32, #tpu.memory_space<vmem>>
        %dma_start3A_114 = arith.constant 0 : i32
        %dma_start3A_115 = arith.constant 0 : i32
        %dma_start3A_116 = tpu.memref_slice %arg7[%dma_start3A_114, %dma_start3A_115] : memref<50176x16xf32, #tpu.memory_space<vmem_shared>> -> memref<50176x16xf32, #tpu.memory_space<vmem_shared>>
        tpu.enqueue_indirect_dma source(%arg6 : memref<128x16xf32, #tpu.memory_space<vmem>>) target(%dma_start3A_116 : memref<50176x16xf32, #tpu.memory_space<vmem_shared>>) offsets(%dma_start3A_113 : memref<128xi32, #tpu.memory_space<vmem>>) semaphore(%run_scoped3A_110 : memref<!tpu.dma_semaphore, #tpu.memory_space<semaphore_mem>>) {add = true}
        %dma_wait3A_117 = arith.constant 0 : i32
        %dma_wait3A_118 = tpu.memref_slice %arg4[%run_scoped3A, %dma_wait3A_117] : memref<2x128xi32, #tpu.memory_space<vmem>> -> memref<1x128xi32, #tpu.memory_space<vmem>>
        %dma_wait3A_119 = tpu.memref_squeeze %dma_wait3A_118 : memref<1x128xi32, #tpu.memory_space<vmem>> -> memref<128xi32, #tpu.memory_space<vmem>>
        %dma_wait3A_120 = arith.constant 0 : i32
        %dma_wait3A_121 = arith.constant 0 : i32
        %dma_wait3A_122 = tpu.memref_slice %arg7[%dma_wait3A_120, %dma_wait3A_121] : memref<50176x16xf32, #tpu.memory_space<vmem_shared>> -> memref<50176x16xf32, #tpu.memory_space<vmem_shared>>
        tpu.wait_indirect_dma semaphore(%run_scoped3A_110 : memref<!tpu.dma_semaphore, #tpu.memory_space<semaphore_mem>>) src(%arg6 : memref<128x16xf32, #tpu.memory_space<vmem>>) dst(%dma_wait3A_122 : memref<50176x16xf32, #tpu.memory_space<vmem_shared>>)
        tpu.yield
      }) : () -> ()
      %mul3A_90 = arith.constant 2 : i32
      %mul3A_91 = arith.muli %mul3A_90, %scan3A_36 : i32
      %add3A_92 = arith.addi %add3A, %mul3A_91 : i32
      %add3A_93 = arith.constant 1 : i32
      %add3A_94 = arith.addi %add3A_92, %add3A_93 : i32
      %dma_wait3A_95 = arith.constant 1 : i32
      %dma_wait3A_96 = arith.constant 0 : i32
      %dma_wait3A_97 = tpu.memref_slice %arg4[%dma_wait3A_95, %dma_wait3A_96] : memref<2x128xi32, #tpu.memory_space<vmem>> -> memref<1x128xi32, #tpu.memory_space<vmem>>
      %dma_wait3A_98 = tpu.memref_squeeze %dma_wait3A_97 : memref<1x128xi32, #tpu.memory_space<vmem>> -> memref<128xi32, #tpu.memory_space<vmem>>
      %dma_wait3A_99 = arith.constant 0 : i32
      %dma_wait3A_100 = tpu.memref_slice %arg2[%add3A_94, %dma_wait3A_99] : memref<2368x128xi32, #tpu.memory_space<hbm>> -> memref<1x128xi32, #tpu.memory_space<hbm>>
      %dma_wait3A_101 = tpu.memref_squeeze %dma_wait3A_100 : memref<1x128xi32, #tpu.memory_space<hbm>> -> memref<128xi32, #tpu.memory_space<hbm>>
      %dma_wait3A_102 = arith.constant 0 : i32
      %dma_wait3A_103 = tpu.memref_slice %arg4[%dma_wait3A_95, %dma_wait3A_102] : memref<2x128xi32, #tpu.memory_space<vmem>> -> memref<1x128xi32, #tpu.memory_space<vmem>>
      %dma_wait3A_104 = tpu.memref_squeeze %dma_wait3A_103 : memref<1x128xi32, #tpu.memory_space<vmem>> -> memref<128xi32, #tpu.memory_space<vmem>>
      %dma_wait3A_105 = arith.constant 0 : i32
      %dma_wait3A_106 = tpu.memref_slice %arg2[%add3A_94, %dma_wait3A_105] : memref<2368x128xi32, #tpu.memory_space<hbm>> -> memref<1x128xi32, #tpu.memory_space<hbm>>
      %dma_wait3A_107 = tpu.memref_squeeze %dma_wait3A_106 : memref<1x128xi32, #tpu.memory_space<hbm>> -> memref<128xi32, #tpu.memory_space<hbm>>
      tpu.wait_dma2 semaphore(%arg9 : memref<!tpu.dma_semaphore, #tpu.memory_space<semaphore_mem>>) src(%dma_wait3A_107 : memref<128xi32, #tpu.memory_space<hbm>>) dst(%dma_wait3A_104 : memref<128xi32, #tpu.memory_space<vmem>>)
      %run_scoped3A_108 = arith.constant 1 : i32
      "tpu.region"() ({
        %run_scoped3A_110 = tpu.sem_alloc : memref<!tpu.dma_semaphore, #tpu.memory_space<semaphore_mem>>
        %dma_start3A_111 = arith.constant 0 : i32
        %dma_start3A_112 = tpu.memref_slice %arg4[%run_scoped3A_108, %dma_start3A_111] : memref<2x128xi32, #tpu.memory_space<vmem>> -> memref<1x128xi32, #tpu.memory_space<vmem>>
        %dma_start3A_113 = tpu.memref_squeeze %dma_start3A_112 : memref<1x128xi32, #tpu.memory_space<vmem>> -> memref<128xi32, #tpu.memory_space<vmem>>
        %dma_start3A_114 = arith.constant 0 : i32
        %dma_start3A_115 = arith.constant 0 : i32
        %dma_start3A_116 = tpu.memref_slice %arg7[%dma_start3A_114, %dma_start3A_115] : memref<50176x16xf32, #tpu.memory_space<vmem_shared>> -> memref<50176x16xf32, #tpu.memory_space<vmem_shared>>
        tpu.enqueue_indirect_dma source(%arg6 : memref<128x16xf32, #tpu.memory_space<vmem>>) target(%dma_start3A_116 : memref<50176x16xf32, #tpu.memory_space<vmem_shared>>) offsets(%dma_start3A_113 : memref<128xi32, #tpu.memory_space<vmem>>) semaphore(%run_scoped3A_110 : memref<!tpu.dma_semaphore, #tpu.memory_space<semaphore_mem>>) {add = true}
        %dma_wait3A_117 = arith.constant 0 : i32
        %dma_wait3A_118 = tpu.memref_slice %arg4[%run_scoped3A_108, %dma_wait3A_117] : memref<2x128xi32, #tpu.memory_space<vmem>> -> memref<1x128xi32, #tpu.memory_space<vmem>>
        %dma_wait3A_119 = tpu.memref_squeeze %dma_wait3A_118 : memref<1x128xi32, #tpu.memory_space<vmem>> -> memref<128xi32, #tpu.memory_space<vmem>>
        %dma_wait3A_120 = arith.constant 0 : i32
        %dma_wait3A_121 = arith.constant 0 : i32
        %dma_wait3A_122 = tpu.memref_slice %arg7[%dma_wait3A_120, %dma_wait3A_121] : memref<50176x16xf32, #tpu.memory_space<vmem_shared>> -> memref<50176x16xf32, #tpu.memory_space<vmem_shared>>
        tpu.wait_indirect_dma semaphore(%run_scoped3A_110 : memref<!tpu.dma_semaphore, #tpu.memory_space<semaphore_mem>>) src(%arg6 : memref<128x16xf32, #tpu.memory_space<vmem>>) dst(%dma_wait3A_122 : memref<50176x16xf32, #tpu.memory_space<vmem_shared>>)
        tpu.yield
      }) : () -> ()
      %scan3A_109 = arith.constant 0 : i32
      scf.yield %scan3A_109 : i32
    }
    %scan3A_34 = arith.constant 37 : i32
    %barrier3A_35 = arith.constant 0 : index
    tpu.barrier barrier_id(%barrier3A_35)
    "tpu.region"() ({
      %run_scoped3A = tpu.sem_alloc : memref<!tpu.dma_semaphore, #tpu.memory_space<semaphore_mem>>
      %dma_start3A = arith.constant 0 : i32
      %dma_start3A_36 = tpu.memref_slice %arg3[%arg0, %mul3A_0, %dma_start3A] : memref<2x50176x16xf32, #tpu.memory_space<hbm>> -> memref<1x3136x16xf32, #tpu.memory_space<hbm>>
      %dma_start3A_37 = tpu.memref_squeeze %dma_start3A_36 : memref<1x3136x16xf32, #tpu.memory_space<hbm>> -> memref<3136x16xf32, #tpu.memory_space<hbm>>
      %dma_start3A_38 = arith.constant 0 : i32
      %dma_start3A_39 = tpu.memref_slice %arg7[%mul3A_0, %dma_start3A_38] : memref<50176x16xf32, #tpu.memory_space<vmem_shared>> -> memref<3136x16xf32, #tpu.memory_space<vmem_shared>>
      tpu.enqueue_dma source(%dma_start3A_39 : memref<3136x16xf32, #tpu.memory_space<vmem_shared>>) target(%dma_start3A_37 : memref<3136x16xf32, #tpu.memory_space<hbm>>) target_semaphore(%run_scoped3A : memref<!tpu.dma_semaphore, #tpu.memory_space<semaphore_mem>>)
      %dma_wait3A = arith.constant 0 : i32
      %dma_wait3A_40 = tpu.memref_slice %arg3[%arg0, %mul3A_0, %dma_wait3A] : memref<2x50176x16xf32, #tpu.memory_space<hbm>> -> memref<1x3136x16xf32, #tpu.memory_space<hbm>>
      %dma_wait3A_41 = tpu.memref_squeeze %dma_wait3A_40 : memref<1x3136x16xf32, #tpu.memory_space<hbm>> -> memref<3136x16xf32, #tpu.memory_space<hbm>>
      %dma_wait3A_42 = arith.constant 0 : i32
      %dma_wait3A_43 = tpu.memref_slice %arg7[%mul3A_0, %dma_wait3A_42] : memref<50176x16xf32, #tpu.memory_space<vmem_shared>> -> memref<3136x16xf32, #tpu.memory_space<vmem_shared>>
      tpu.wait_dma2 semaphore(%run_scoped3A : memref<!tpu.dma_semaphore, #tpu.memory_space<semaphore_mem>>) src(%dma_wait3A_43 : memref<3136x16xf32, #tpu.memory_space<vmem_shared>>) dst(%dma_wait3A_41 : memref<3136x16xf32, #tpu.memory_space<hbm>>)
      tpu.yield
    }) : () -> ()
    return
  }
}

#map = affine_map<(d0, d1) -> (0, 0)>
#map1 = affine_map<(d0, d1) -> (0, 0, 0)>
module attributes {stable_mosaic.version = 14 : i64} {
  func.func @_sc_feat_body(%arg0: i32, %arg1: i32, %arg2: memref<100000x64xbf16, #tpu.memory_space<hbm>>, %arg3: memref<2x2368x128xi32, #tpu.memory_space<hbm>>, %arg4: memref<2368x128xi32, #tpu.memory_space<hbm>>, %arg5: memref<2x50176x64xbf16, #tpu.memory_space<hbm>>, %arg6: memref<8x128xi32, #tpu.memory_space<vmem>>, %arg7: memref<8x128xi32, #tpu.memory_space<vmem>>, %arg8: memref<4x128x64xbf16, #tpu.memory_space<vmem>>, %arg9: memref<56x64xbf16, #tpu.memory_space<vmem>>, %arg10: memref<50176x64xbf16, #tpu.memory_space<vmem_shared>>, %arg11: memref<!tpu.dma_semaphore, #tpu.memory_space<semaphore_mem>>, %arg12: memref<!tpu.dma_semaphore, #tpu.memory_space<semaphore_mem>>, %arg13: memref<!tpu.dma_semaphore, #tpu.memory_space<semaphore_mem>>, %arg14: memref<!tpu.dma_semaphore, #tpu.memory_space<semaphore_mem>>, %arg15: memref<!tpu.dma_semaphore, #tpu.memory_space<semaphore_mem>>, %arg16: memref<!tpu.dma_semaphore, #tpu.memory_space<semaphore_mem>>, %arg17: memref<!tpu.dma_semaphore, #tpu.memory_space<semaphore_mem>>, %arg18: memref<!tpu.dma_semaphore, #tpu.memory_space<semaphore_mem>>) attributes {dimension_semantics = [#tpu.dimension_semantics<core_parallel>, #tpu.dimension_semantics<subcore_parallel>], iteration_bounds = array<i64: 2, 16>, scalar_prefetch = 0 : i64, scratch_operands = 13 : i64, tpu.core_type = #tpu.core_type<sc_vector_subcore>, window_params = [{transform_indices = #map}, {transform_indices = #map1}, {transform_indices = #map}, {transform_indices = #map1}]} {
    %mul3A = arith.constant 3136 : i32
    %mul3A_0 = arith.muli %arg1, %mul3A : i32
    %broadcast_in_dim3A = arith.constant 0.000000e+00 : bf16
    %broadcast_in_dim3A_1 = vector.broadcast %broadcast_in_dim3A : bf16 to vector<32xbf16>
    %scan3A = arith.constant 0 : i32
    %scan3A_2 = arith.constant 0 : i32
    %scan3A_3 = arith.constant 56 : i32
    %scan3A_4 = arith.addi %scan3A_2, %scan3A_3 : i32
    %scan3A_5 = arith.constant 1 : i32
    %scan3A_6 = scf.for %scan3A_143 = %scan3A_2 to %scan3A_4 step %scan3A_5 iter_args(%scan3A_144 = %scan3A) -> (i32)  : i32 {
      %swap3A = arith.index_cast %scan3A_143 : i32 to index
      %swap3A_145 = arith.constant 0 : index
      %swap3A_146 = tpu.vector_load %arg9[%swap3A, %swap3A_145] {strides = array<i32>} : memref<56x64xbf16, #tpu.memory_space<vmem>>, vector<1x32xbf16>,
      %swap3A_147 = vector.shape_cast %swap3A_146 : vector<1x32xbf16> to vector<32xbf16>
      %swap3A_148 = vector.shape_cast %broadcast_in_dim3A_1 : vector<32xbf16> to vector<1x32xbf16>
      tpu.vector_store %arg9[%swap3A, %swap3A_145], %swap3A_148 {strides = array<i32>} : memref<56x64xbf16, #tpu.memory_space<vmem>>, vector<1x32xbf16>,
      %swap3A_149 = arith.index_cast %scan3A_143 : i32 to index
      %swap3A_150 = arith.constant 32 : index
      %swap3A_151 = tpu.vector_load %arg9[%swap3A_149, %swap3A_150] {strides = array<i32>} : memref<56x64xbf16, #tpu.memory_space<vmem>>, vector<1x32xbf16>,
      %swap3A_152 = vector.shape_cast %swap3A_151 : vector<1x32xbf16> to vector<32xbf16>
      %swap3A_153 = vector.shape_cast %broadcast_in_dim3A_1 : vector<32xbf16> to vector<1x32xbf16>
      tpu.vector_store %arg9[%swap3A_149, %swap3A_150], %swap3A_153 {strides = array<i32>} : memref<56x64xbf16, #tpu.memory_space<vmem>>, vector<1x32xbf16>,
      %scan3A_154 = arith.constant 0 : i32
      scf.yield %scan3A_154 : i32
    }
    %scan3A_7 = arith.constant 56 : i32
    %scan3A_8 = arith.constant 0 : i32
    %scan3A_9 = arith.constant 0 : i32
    %scan3A_10 = arith.constant 56 : i32
    %scan3A_11 = arith.addi %scan3A_9, %scan3A_10 : i32
    %scan3A_12 = arith.constant 1 : i32
    %scan3A_13 = scf.for %scan3A_143 = %scan3A_9 to %scan3A_11 step %scan3A_12 iter_args(%scan3A_144 = %scan3A_8) -> (i32)  : i32 {
      %mul3A_145 = arith.constant 56 : i32
      %mul3A_146 = arith.muli %scan3A_143, %mul3A_145 : i32
      %add3A_147 = arith.addi %mul3A_0, %mul3A_146 : i32
      "tpu.region"() ({
        %run_scoped3A = tpu.sem_alloc : memref<!tpu.dma_semaphore, #tpu.memory_space<semaphore_mem>>
        %dma_start3A_149 = arith.constant 0 : i32
        %dma_start3A_150 = tpu.memref_slice %arg10[%add3A_147, %dma_start3A_149] : memref<50176x64xbf16, #tpu.memory_space<vmem_shared>> -> memref<56x64xbf16, #tpu.memory_space<vmem_shared>>
        %dma_start3A_151 = arith.constant 0 : i32
        %dma_start3A_152 = tpu.memref_slice %arg10[%add3A_147, %dma_start3A_151] : memref<50176x64xbf16, #tpu.memory_space<vmem_shared>> -> memref<56x64xbf16, #tpu.memory_space<vmem_shared>>
        tpu.enqueue_dma source(%arg9 : memref<56x64xbf16, #tpu.memory_space<vmem>>) target(%dma_start3A_152 : memref<56x64xbf16, #tpu.memory_space<vmem_shared>>) target_semaphore(%run_scoped3A : memref<!tpu.dma_semaphore, #tpu.memory_space<semaphore_mem>>)
        %dma_wait3A = arith.constant 0 : i32
        %dma_wait3A_153 = tpu.memref_slice %arg10[%add3A_147, %dma_wait3A] : memref<50176x64xbf16, #tpu.memory_space<vmem_shared>> -> memref<56x64xbf16, #tpu.memory_space<vmem_shared>>
        %dma_wait3A_154 = arith.constant 0 : i32
        %dma_wait3A_155 = tpu.memref_slice %arg10[%add3A_147, %dma_wait3A_154] : memref<50176x64xbf16, #tpu.memory_space<vmem_shared>> -> memref<56x64xbf16, #tpu.memory_space<vmem_shared>>
        tpu.wait_dma2 semaphore(%run_scoped3A : memref<!tpu.dma_semaphore, #tpu.memory_space<semaphore_mem>>) src(%arg9 : memref<56x64xbf16, #tpu.memory_space<vmem>>) dst(%dma_wait3A_155 : memref<56x64xbf16, #tpu.memory_space<vmem_shared>>)
        tpu.yield
      }) : () -> ()
      %scan3A_148 = arith.constant 0 : i32
      scf.yield %scan3A_148 : i32
    }
    %scan3A_14 = arith.constant 56 : i32
    %barrier3A = arith.constant 0 : index
    tpu.barrier barrier_id(%barrier3A)
    %mul3A_15 = arith.constant 148 : i32
    %mul3A_16 = arith.muli %arg1, %mul3A_15 : i32
    %add3A = arith.constant 0 : i32
    %add3A_17 = arith.addi %mul3A_16, %add3A : i32
    %add3A_18 = arith.constant 0 : i32
    %add3A_19 = arith.addi %add3A_17, %add3A_18 : i32
    %dma_start3A = arith.constant 0 : i32
    %dma_start3A_20 = arith.constant 0 : i32
    %dma_start3A_21 = tpu.memref_slice %arg6[%dma_start3A, %dma_start3A_20] : memref<8x128xi32, #tpu.memory_space<vmem>> -> memref<1x128xi32, #tpu.memory_space<vmem>>
    %dma_start3A_22 = tpu.memref_squeeze %dma_start3A_21 : memref<1x128xi32, #tpu.memory_space<vmem>> -> memref<128xi32, #tpu.memory_space<vmem>>
    %dma_start3A_23 = arith.constant 0 : i32
    %dma_start3A_24 = tpu.memref_slice %arg3[%arg0, %add3A_19, %dma_start3A_23] : memref<2x2368x128xi32, #tpu.memory_space<hbm>> -> memref<1x1x128xi32, #tpu.memory_space<hbm>>
    %dma_start3A_25 = tpu.memref_squeeze %dma_start3A_24 : memref<1x1x128xi32, #tpu.memory_space<hbm>> -> memref<128xi32, #tpu.memory_space<hbm>>
    %dma_start3A_26 = arith.constant 0 : i32
    %dma_start3A_27 = tpu.memref_slice %arg6[%dma_start3A, %dma_start3A_26] : memref<8x128xi32, #tpu.memory_space<vmem>> -> memref<1x128xi32, #tpu.memory_space<vmem>>
    %dma_start3A_28 = tpu.memref_squeeze %dma_start3A_27 : memref<1x128xi32, #tpu.memory_space<vmem>> -> memref<128xi32, #tpu.memory_space<vmem>>
    %dma_start3A_29 = arith.constant 0 : i32
    %dma_start3A_30 = tpu.memref_slice %arg3[%arg0, %add3A_19, %dma_start3A_29] : memref<2x2368x128xi32, #tpu.memory_space<hbm>> -> memref<1x1x128xi32, #tpu.memory_space<hbm>>
    %dma_start3A_31 = tpu.memref_squeeze %dma_start3A_30 : memref<1x1x128xi32, #tpu.memory_space<hbm>> -> memref<128xi32, #tpu.memory_space<hbm>>
    tpu.enqueue_dma source(%dma_start3A_31 : memref<128xi32, #tpu.memory_space<hbm>>) target(%dma_start3A_28 : memref<128xi32, #tpu.memory_space<vmem>>) target_semaphore(%arg11 : memref<!tpu.dma_semaphore, #tpu.memory_space<semaphore_mem>>)
    %dma_start3A_32 = arith.constant 0 : i32
    %dma_start3A_33 = arith.constant 0 : i32
    %dma_start3A_34 = tpu.memref_slice %arg7[%dma_start3A_32, %dma_start3A_33] : memref<8x128xi32, #tpu.memory_space<vmem>> -> memref<1x128xi32, #tpu.memory_space<vmem>>
    %dma_start3A_35 = tpu.memref_squeeze %dma_start3A_34 : memref<1x128xi32, #tpu.memory_space<vmem>> -> memref<128xi32, #tpu.memory_space<vmem>>
    %dma_start3A_36 = arith.constant 0 : i32
    %dma_start3A_37 = tpu.memref_slice %arg4[%add3A_19, %dma_start3A_36] : memref<2368x128xi32, #tpu.memory_space<hbm>> -> memref<1x128xi32, #tpu.memory_space<hbm>>
    %dma_start3A_38 = tpu.memref_squeeze %dma_start3A_37 : memref<1x128xi32, #tpu.memory_space<hbm>> -> memref<128xi32, #tpu.memory_space<hbm>>
    %dma_start3A_39 = arith.constant 0 : i32
    %dma_start3A_40 = tpu.memref_slice %arg7[%dma_start3A_32, %dma_start3A_39] : memref<8x128xi32, #tpu.memory_space<vmem>> -> memref<1x128xi32, #tpu.memory_space<vmem>>
    %dma_start3A_41 = tpu.memref_squeeze %dma_start3A_40 : memref<1x128xi32, #tpu.memory_space<vmem>> -> memref<128xi32, #tpu.memory_space<vmem>>
    %dma_start3A_42 = arith.constant 0 : i32
    %dma_start3A_43 = tpu.memref_slice %arg4[%add3A_19, %dma_start3A_42] : memref<2368x128xi32, #tpu.memory_space<hbm>> -> memref<1x128xi32, #tpu.memory_space<hbm>>
    %dma_start3A_44 = tpu.memref_squeeze %dma_start3A_43 : memref<1x128xi32, #tpu.memory_space<hbm>> -> memref<128xi32, #tpu.memory_space<hbm>>
    tpu.enqueue_dma source(%dma_start3A_44 : memref<128xi32, #tpu.memory_space<hbm>>) target(%dma_start3A_41 : memref<128xi32, #tpu.memory_space<vmem>>) target_semaphore(%arg11 : memref<!tpu.dma_semaphore, #tpu.memory_space<semaphore_mem>>)
    %add3A_45 = arith.constant 0 : i32
    %add3A_46 = arith.addi %mul3A_16, %add3A_45 : i32
    %add3A_47 = arith.constant 1 : i32
    %add3A_48 = arith.addi %add3A_46, %add3A_47 : i32
    %dma_start3A_49 = arith.constant 1 : i32
    %dma_start3A_50 = arith.constant 0 : i32
    %dma_start3A_51 = tpu.memref_slice %arg6[%dma_start3A_49, %dma_start3A_50] : memref<8x128xi32, #tpu.memory_space<vmem>> -> memref<1x128xi32, #tpu.memory_space<vmem>>
    %dma_start3A_52 = tpu.memref_squeeze %dma_start3A_51 : memref<1x128xi32, #tpu.memory_space<vmem>> -> memref<128xi32, #tpu.memory_space<vmem>>
    %dma_start3A_53 = arith.constant 0 : i32
    %dma_start3A_54 = tpu.memref_slice %arg3[%arg0, %add3A_48, %dma_start3A_53] : memref<2x2368x128xi32, #tpu.memory_space<hbm>> -> memref<1x1x128xi32, #tpu.memory_space<hbm>>
    %dma_start3A_55 = tpu.memref_squeeze %dma_start3A_54 : memref<1x1x128xi32, #tpu.memory_space<hbm>> -> memref<128xi32, #tpu.memory_space<hbm>>
    %dma_start3A_56 = arith.constant 0 : i32
    %dma_start3A_57 = tpu.memref_slice %arg6[%dma_start3A_49, %dma_start3A_56] : memref<8x128xi32, #tpu.memory_space<vmem>> -> memref<1x128xi32, #tpu.memory_space<vmem>>
    %dma_start3A_58 = tpu.memref_squeeze %dma_start3A_57 : memref<1x128xi32, #tpu.memory_space<vmem>> -> memref<128xi32, #tpu.memory_space<vmem>>
    %dma_start3A_59 = arith.constant 0 : i32
    %dma_start3A_60 = tpu.memref_slice %arg3[%arg0, %add3A_48, %dma_start3A_59] : memref<2x2368x128xi32, #tpu.memory_space<hbm>> -> memref<1x1x128xi32, #tpu.memory_space<hbm>>
    %dma_start3A_61 = tpu.memref_squeeze %dma_start3A_60 : memref<1x1x128xi32, #tpu.memory_space<hbm>> -> memref<128xi32, #tpu.memory_space<hbm>>
    tpu.enqueue_dma source(%dma_start3A_61 : memref<128xi32, #tpu.memory_space<hbm>>) target(%dma_start3A_58 : memref<128xi32, #tpu.memory_space<vmem>>) target_semaphore(%arg12 : memref<!tpu.dma_semaphore, #tpu.memory_space<semaphore_mem>>)
    %dma_start3A_62 = arith.constant 1 : i32
    %dma_start3A_63 = arith.constant 0 : i32
    %dma_start3A_64 = tpu.memref_slice %arg7[%dma_start3A_62, %dma_start3A_63] : memref<8x128xi32, #tpu.memory_space<vmem>> -> memref<1x128xi32, #tpu.memory_space<vmem>>
    %dma_start3A_65 = tpu.memref_squeeze %dma_start3A_64 : memref<1x128xi32, #tpu.memory_space<vmem>> -> memref<128xi32, #tpu.memory_space<vmem>>
    %dma_start3A_66 = arith.constant 0 : i32
    %dma_start3A_67 = tpu.memref_slice %arg4[%add3A_48, %dma_start3A_66] : memref<2368x128xi32, #tpu.memory_space<hbm>> -> memref<1x128xi32, #tpu.memory_space<hbm>>
    %dma_start3A_68 = tpu.memref_squeeze %dma_start3A_67 : memref<1x128xi32, #tpu.memory_space<hbm>> -> memref<128xi32, #tpu.memory_space<hbm>>
    %dma_start3A_69 = arith.constant 0 : i32
    %dma_start3A_70 = tpu.memref_slice %arg7[%dma_start3A_62, %dma_start3A_69] : memref<8x128xi32, #tpu.memory_space<vmem>> -> memref<1x128xi32, #tpu.memory_space<vmem>>
    %dma_start3A_71 = tpu.memref_squeeze %dma_start3A_70 : memref<1x128xi32, #tpu.memory_space<vmem>> -> memref<128xi32, #tpu.memory_space<vmem>>
    %dma_start3A_72 = arith.constant 0 : i32
    %dma_start3A_73 = tpu.memref_slice %arg4[%add3A_48, %dma_start3A_72] : memref<2368x128xi32, #tpu.memory_space<hbm>> -> memref<1x128xi32, #tpu.memory_space<hbm>>
    %dma_start3A_74 = tpu.memref_squeeze %dma_start3A_73 : memref<1x128xi32, #tpu.memory_space<hbm>> -> memref<128xi32, #tpu.memory_space<hbm>>
    tpu.enqueue_dma source(%dma_start3A_74 : memref<128xi32, #tpu.memory_space<hbm>>) target(%dma_start3A_71 : memref<128xi32, #tpu.memory_space<vmem>>) target_semaphore(%arg12 : memref<!tpu.dma_semaphore, #tpu.memory_space<semaphore_mem>>)
    %add3A_75 = arith.constant 0 : i32
    %add3A_76 = arith.addi %mul3A_16, %add3A_75 : i32
    %add3A_77 = arith.constant 2 : i32
    %add3A_78 = arith.addi %add3A_76, %add3A_77 : i32
    %dma_start3A_79 = arith.constant 2 : i32
    %dma_start3A_80 = arith.constant 0 : i32
    %dma_start3A_81 = tpu.memref_slice %arg6[%dma_start3A_79, %dma_start3A_80] : memref<8x128xi32, #tpu.memory_space<vmem>> -> memref<1x128xi32, #tpu.memory_space<vmem>>
    %dma_start3A_82 = tpu.memref_squeeze %dma_start3A_81 : memref<1x128xi32, #tpu.memory_space<vmem>> -> memref<128xi32, #tpu.memory_space<vmem>>
    %dma_start3A_83 = arith.constant 0 : i32
    %dma_start3A_84 = tpu.memref_slice %arg3[%arg0, %add3A_78, %dma_start3A_83] : memref<2x2368x128xi32, #tpu.memory_space<hbm>> -> memref<1x1x128xi32, #tpu.memory_space<hbm>>
    %dma_start3A_85 = tpu.memref_squeeze %dma_start3A_84 : memref<1x1x128xi32, #tpu.memory_space<hbm>> -> memref<128xi32, #tpu.memory_space<hbm>>
    %dma_start3A_86 = arith.constant 0 : i32
    %dma_start3A_87 = tpu.memref_slice %arg6[%dma_start3A_79, %dma_start3A_86] : memref<8x128xi32, #tpu.memory_space<vmem>> -> memref<1x128xi32, #tpu.memory_space<vmem>>
    %dma_start3A_88 = tpu.memref_squeeze %dma_start3A_87 : memref<1x128xi32, #tpu.memory_space<vmem>> -> memref<128xi32, #tpu.memory_space<vmem>>
    %dma_start3A_89 = arith.constant 0 : i32
    %dma_start3A_90 = tpu.memref_slice %arg3[%arg0, %add3A_78, %dma_start3A_89] : memref<2x2368x128xi32, #tpu.memory_space<hbm>> -> memref<1x1x128xi32, #tpu.memory_space<hbm>>
    %dma_start3A_91 = tpu.memref_squeeze %dma_start3A_90 : memref<1x1x128xi32, #tpu.memory_space<hbm>> -> memref<128xi32, #tpu.memory_space<hbm>>
    tpu.enqueue_dma source(%dma_start3A_91 : memref<128xi32, #tpu.memory_space<hbm>>) target(%dma_start3A_88 : memref<128xi32, #tpu.memory_space<vmem>>) target_semaphore(%arg13 : memref<!tpu.dma_semaphore, #tpu.memory_space<semaphore_mem>>)
    %dma_start3A_92 = arith.constant 2 : i32
    %dma_start3A_93 = arith.constant 0 : i32
    %dma_start3A_94 = tpu.memref_slice %arg7[%dma_start3A_92, %dma_start3A_93] : memref<8x128xi32, #tpu.memory_space<vmem>> -> memref<1x128xi32, #tpu.memory_space<vmem>>
    %dma_start3A_95 = tpu.memref_squeeze %dma_start3A_94 : memref<1x128xi32, #tpu.memory_space<vmem>> -> memref<128xi32, #tpu.memory_space<vmem>>
    %dma_start3A_96 = arith.constant 0 : i32
    %dma_start3A_97 = tpu.memref_slice %arg4[%add3A_78, %dma_start3A_96] : memref<2368x128xi32, #tpu.memory_space<hbm>> -> memref<1x128xi32, #tpu.memory_space<hbm>>
    %dma_start3A_98 = tpu.memref_squeeze %dma_start3A_97 : memref<1x128xi32, #tpu.memory_space<hbm>> -> memref<128xi32, #tpu.memory_space<hbm>>
    %dma_start3A_99 = arith.constant 0 : i32
    %dma_start3A_100 = tpu.memref_slice %arg7[%dma_start3A_92, %dma_start3A_99] : memref<8x128xi32, #tpu.memory_space<vmem>> -> memref<1x128xi32, #tpu.memory_space<vmem>>
    %dma_start3A_101 = tpu.memref_squeeze %dma_start3A_100 : memref<1x128xi32, #tpu.memory_space<vmem>> -> memref<128xi32, #tpu.memory_space<vmem>>
    %dma_start3A_102 = arith.constant 0 : i32
    %dma_start3A_103 = tpu.memref_slice %arg4[%add3A_78, %dma_start3A_102] : memref<2368x128xi32, #tpu.memory_space<hbm>> -> memref<1x128xi32, #tpu.memory_space<hbm>>
    %dma_start3A_104 = tpu.memref_squeeze %dma_start3A_103 : memref<1x128xi32, #tpu.memory_space<hbm>> -> memref<128xi32, #tpu.memory_space<hbm>>
    tpu.enqueue_dma source(%dma_start3A_104 : memref<128xi32, #tpu.memory_space<hbm>>) target(%dma_start3A_101 : memref<128xi32, #tpu.memory_space<vmem>>) target_semaphore(%arg13 : memref<!tpu.dma_semaphore, #tpu.memory_space<semaphore_mem>>)
    %add3A_105 = arith.constant 0 : i32
    %add3A_106 = arith.addi %mul3A_16, %add3A_105 : i32
    %add3A_107 = arith.constant 3 : i32
    %add3A_108 = arith.addi %add3A_106, %add3A_107 : i32
    %dma_start3A_109 = arith.constant 3 : i32
    %dma_start3A_110 = arith.constant 0 : i32
    %dma_start3A_111 = tpu.memref_slice %arg6[%dma_start3A_109, %dma_start3A_110] : memref<8x128xi32, #tpu.memory_space<vmem>> -> memref<1x128xi32, #tpu.memory_space<vmem>>
    %dma_start3A_112 = tpu.memref_squeeze %dma_start3A_111 : memref<1x128xi32, #tpu.memory_space<vmem>> -> memref<128xi32, #tpu.memory_space<vmem>>
    %dma_start3A_113 = arith.constant 0 : i32
    %dma_start3A_114 = tpu.memref_slice %arg3[%arg0, %add3A_108, %dma_start3A_113] : memref<2x2368x128xi32, #tpu.memory_space<hbm>> -> memref<1x1x128xi32, #tpu.memory_space<hbm>>
    %dma_start3A_115 = tpu.memref_squeeze %dma_start3A_114 : memref<1x1x128xi32, #tpu.memory_space<hbm>> -> memref<128xi32, #tpu.memory_space<hbm>>
    %dma_start3A_116 = arith.constant 0 : i32
    %dma_start3A_117 = tpu.memref_slice %arg6[%dma_start3A_109, %dma_start3A_116] : memref<8x128xi32, #tpu.memory_space<vmem>> -> memref<1x128xi32, #tpu.memory_space<vmem>>
    %dma_start3A_118 = tpu.memref_squeeze %dma_start3A_117 : memref<1x128xi32, #tpu.memory_space<vmem>> -> memref<128xi32, #tpu.memory_space<vmem>>
    %dma_start3A_119 = arith.constant 0 : i32
    %dma_start3A_120 = tpu.memref_slice %arg3[%arg0, %add3A_108, %dma_start3A_119] : memref<2x2368x128xi32, #tpu.memory_space<hbm>> -> memref<1x1x128xi32, #tpu.memory_space<hbm>>
    %dma_start3A_121 = tpu.memref_squeeze %dma_start3A_120 : memref<1x1x128xi32, #tpu.memory_space<hbm>> -> memref<128xi32, #tpu.memory_space<hbm>>
    tpu.enqueue_dma source(%dma_start3A_121 : memref<128xi32, #tpu.memory_space<hbm>>) target(%dma_start3A_118 : memref<128xi32, #tpu.memory_space<vmem>>) target_semaphore(%arg14 : memref<!tpu.dma_semaphore, #tpu.memory_space<semaphore_mem>>)
    %dma_start3A_122 = arith.constant 3 : i32
    %dma_start3A_123 = arith.constant 0 : i32
    %dma_start3A_124 = tpu.memref_slice %arg7[%dma_start3A_122, %dma_start3A_123] : memref<8x128xi32, #tpu.memory_space<vmem>> -> memref<1x128xi32, #tpu.memory_space<vmem>>
    %dma_start3A_125 = tpu.memref_squeeze %dma_start3A_124 : memref<1x128xi32, #tpu.memory_space<vmem>> -> memref<128xi32, #tpu.memory_space<vmem>>
    %dma_start3A_126 = arith.constant 0 : i32
    %dma_start3A_127 = tpu.memref_slice %arg4[%add3A_108, %dma_start3A_126] : memref<2368x128xi32, #tpu.memory_space<hbm>> -> memref<1x128xi32, #tpu.memory_space<hbm>>
    %dma_start3A_128 = tpu.memref_squeeze %dma_start3A_127 : memref<1x128xi32, #tpu.memory_space<hbm>> -> memref<128xi32, #tpu.memory_space<hbm>>
    %dma_start3A_129 = arith.constant 0 : i32
    %dma_start3A_130 = tpu.memref_slice %arg7[%dma_start3A_122, %dma_start3A_129] : memref<8x128xi32, #tpu.memory_space<vmem>> -> memref<1x128xi32, #tpu.memory_space<vmem>>
    %dma_start3A_131 = tpu.memref_squeeze %dma_start3A_130 : memref<1x128xi32, #tpu.memory_space<vmem>> -> memref<128xi32, #tpu.memory_space<vmem>>
    %dma_start3A_132 = arith.constant 0 : i32
    %dma_start3A_133 = tpu.memref_slice %arg4[%add3A_108, %dma_start3A_132] : memref<2368x128xi32, #tpu.memory_space<hbm>> -> memref<1x128xi32, #tpu.memory_space<hbm>>
    %dma_start3A_134 = tpu.memref_squeeze %dma_start3A_133 : memref<1x128xi32, #tpu.memory_space<hbm>> -> memref<128xi32, #tpu.memory_space<hbm>>
    tpu.enqueue_dma source(%dma_start3A_134 : memref<128xi32, #tpu.memory_space<hbm>>) target(%dma_start3A_131 : memref<128xi32, #tpu.memory_space<vmem>>) target_semaphore(%arg14 : memref<!tpu.dma_semaphore, #tpu.memory_space<semaphore_mem>>)
    %scan3A_135 = arith.constant 0 : i32
    %scan3A_136 = arith.constant 0 : i32
    %scan3A_137 = arith.constant 37 : i32
    %scan3A_138 = arith.addi %scan3A_136, %scan3A_137 : i32
    %scan3A_139 = arith.constant 1 : i32
    %scan3A_140 = scf.for %scan3A_143 = %scan3A_136 to %scan3A_138 step %scan3A_139 iter_args(%scan3A_144 = %scan3A_135) -> (i32)  : i32 {
      %jit3A = arith.constant 2 : i32
      %eq3A = arith.constant 0 : i32
      %eq3A_145 = arith.cmpi eq, %jit3A, %eq3A : i32
      %jit3A_146 = arith.constant 1 : i32
      %select_n3A = arith.select %eq3A_145, %jit3A_146, %jit3A : i32
      %rem3A = arith.remsi %scan3A_143, %select_n3A : i32
      %ne3A = arith.constant 0 : i32
      %ne3A_147 = arith.cmpi ne, %rem3A, %ne3A : i32
      %lt3A = arith.constant 0 : i32
      %lt3A_148 = arith.cmpi slt, %rem3A, %lt3A : i32
      %lt3A_149 = arith.constant 0 : i32
      %lt3A_150 = arith.cmpi slt, %select_n3A, %lt3A_149 : i32
      %ne3A_151 = arith.xori %lt3A_148, %lt3A_150 : i1
      %and3A = arith.andi %ne3A_151, %ne3A_147 : i1
      %add3A_152 = arith.addi %rem3A, %select_n3A : i32
      %select_n3A_153 = arith.select %and3A, %add3A_152, %rem3A : i32
      %mul3A_154 = arith.constant 4 : i32
      %mul3A_155 = arith.muli %select_n3A_153, %mul3A_154 : i32
      %sub3A = arith.constant 4 : i32
      %sub3A_156 = arith.subi %sub3A, %mul3A_155 : i32
      %mul3A_157 = arith.constant 4 : i32
      %mul3A_158 = arith.muli %mul3A_157, %scan3A_143 : i32
      %add3A_159 = arith.addi %mul3A_16, %mul3A_158 : i32
      %add3A_160 = arith.constant 0 : i32
      %add3A_161 = arith.addi %add3A_159, %add3A_160 : i32
      %add3A_162 = arith.constant 0 : i32
      %add3A_163 = arith.addi %mul3A_155, %add3A_162 : i32
      %dma_wait3A = arith.constant 0 : i32
      %dma_wait3A_164 = tpu.memref_slice %arg6[%add3A_163, %dma_wait3A] : memref<8x128xi32, #tpu.memory_space<vmem>> -> memref<1x128xi32, #tpu.memory_space<vmem>>
      %dma_wait3A_165 = tpu.memref_squeeze %dma_wait3A_164 : memref<1x128xi32, #tpu.memory_space<vmem>> -> memref<128xi32, #tpu.memory_space<vmem>>
      %dma_wait3A_166 = arith.constant 0 : i32
      %dma_wait3A_167 = tpu.memref_slice %arg3[%arg0, %add3A_161, %dma_wait3A_166] : memref<2x2368x128xi32, #tpu.memory_space<hbm>> -> memref<1x1x128xi32, #tpu.memory_space<hbm>>
      %dma_wait3A_168 = tpu.memref_squeeze %dma_wait3A_167 : memref<1x1x128xi32, #tpu.memory_space<hbm>> -> memref<128xi32, #tpu.memory_space<hbm>>
      %dma_wait3A_169 = arith.constant 0 : i32
      %dma_wait3A_170 = tpu.memref_slice %arg6[%add3A_163, %dma_wait3A_169] : memref<8x128xi32, #tpu.memory_space<vmem>> -> memref<1x128xi32, #tpu.memory_space<vmem>>
      %dma_wait3A_171 = tpu.memref_squeeze %dma_wait3A_170 : memref<1x128xi32, #tpu.memory_space<vmem>> -> memref<128xi32, #tpu.memory_space<vmem>>
      %dma_wait3A_172 = arith.constant 0 : i32
      %dma_wait3A_173 = tpu.memref_slice %arg3[%arg0, %add3A_161, %dma_wait3A_172] : memref<2x2368x128xi32, #tpu.memory_space<hbm>> -> memref<1x1x128xi32, #tpu.memory_space<hbm>>
      %dma_wait3A_174 = tpu.memref_squeeze %dma_wait3A_173 : memref<1x1x128xi32, #tpu.memory_space<hbm>> -> memref<128xi32, #tpu.memory_space<hbm>>
      tpu.wait_dma2 semaphore(%arg11 : memref<!tpu.dma_semaphore, #tpu.memory_space<semaphore_mem>>) src(%dma_wait3A_174 : memref<128xi32, #tpu.memory_space<hbm>>) dst(%dma_wait3A_171 : memref<128xi32, #tpu.memory_space<vmem>>)
      %add3A_175 = arith.constant 0 : i32
      %add3A_176 = arith.addi %mul3A_155, %add3A_175 : i32
      %dma_wait3A_177 = arith.constant 0 : i32
      %dma_wait3A_178 = tpu.memref_slice %arg7[%add3A_176, %dma_wait3A_177] : memref<8x128xi32, #tpu.memory_space<vmem>> -> memref<1x128xi32, #tpu.memory_space<vmem>>
      %dma_wait3A_179 = tpu.memref_squeeze %dma_wait3A_178 : memref<1x128xi32, #tpu.memory_space<vmem>> -> memref<128xi32, #tpu.memory_space<vmem>>
      %dma_wait3A_180 = arith.constant 0 : i32
      %dma_wait3A_181 = tpu.memref_slice %arg4[%add3A_161, %dma_wait3A_180] : memref<2368x128xi32, #tpu.memory_space<hbm>> -> memref<1x128xi32, #tpu.memory_space<hbm>>
      %dma_wait3A_182 = tpu.memref_squeeze %dma_wait3A_181 : memref<1x128xi32, #tpu.memory_space<hbm>> -> memref<128xi32, #tpu.memory_space<hbm>>
      %dma_wait3A_183 = arith.constant 0 : i32
      %dma_wait3A_184 = tpu.memref_slice %arg7[%add3A_176, %dma_wait3A_183] : memref<8x128xi32, #tpu.memory_space<vmem>> -> memref<1x128xi32, #tpu.memory_space<vmem>>
      %dma_wait3A_185 = tpu.memref_squeeze %dma_wait3A_184 : memref<1x128xi32, #tpu.memory_space<vmem>> -> memref<128xi32, #tpu.memory_space<vmem>>
      %dma_wait3A_186 = arith.constant 0 : i32
      %dma_wait3A_187 = tpu.memref_slice %arg4[%add3A_161, %dma_wait3A_186] : memref<2368x128xi32, #tpu.memory_space<hbm>> -> memref<1x128xi32, #tpu.memory_space<hbm>>
      %dma_wait3A_188 = tpu.memref_squeeze %dma_wait3A_187 : memref<1x128xi32, #tpu.memory_space<hbm>> -> memref<128xi32, #tpu.memory_space<hbm>>
      tpu.wait_dma2 semaphore(%arg11 : memref<!tpu.dma_semaphore, #tpu.memory_space<semaphore_mem>>) src(%dma_wait3A_188 : memref<128xi32, #tpu.memory_space<hbm>>) dst(%dma_wait3A_185 : memref<128xi32, #tpu.memory_space<vmem>>)
      %add3A_189 = arith.constant 0 : i32
      %add3A_190 = arith.addi %mul3A_155, %add3A_189 : i32
      %dma_start3A_191 = arith.constant 0 : i32
      %dma_start3A_192 = arith.constant 0 : i32
      %dma_start3A_193 = arith.constant 0 : i32
      %dma_start3A_194 = tpu.memref_slice %arg8[%dma_start3A_191, %dma_start3A_192, %dma_start3A_193] : memref<4x128x64xbf16, #tpu.memory_space<vmem>> -> memref<1x128x64xbf16, #tpu.memory_space<vmem>>
      %dma_start3A_195 = tpu.memref_squeeze %dma_start3A_194 : memref<1x128x64xbf16, #tpu.memory_space<vmem>> -> memref<128x64xbf16, #tpu.memory_space<vmem>>
      %dma_start3A_196 = arith.constant 0 : i32
      %dma_start3A_197 = tpu.memref_slice %arg6[%add3A_190, %dma_start3A_196] : memref<8x128xi32, #tpu.memory_space<vmem>> -> memref<1x128xi32, #tpu.memory_space<vmem>>
      %dma_start3A_198 = tpu.memref_squeeze %dma_start3A_197 : memref<1x128xi32, #tpu.memory_space<vmem>> -> memref<128xi32, #tpu.memory_space<vmem>>
      %dma_start3A_199 = arith.constant 0 : i32
      %dma_start3A_200 = arith.constant 0 : i32
      %dma_start3A_201 = tpu.memref_slice %arg2[%dma_start3A_199, %dma_start3A_200] : memref<100000x64xbf16, #tpu.memory_space<hbm>> -> memref<100000x64xbf16, #tpu.memory_space<hbm>>
      tpu.enqueue_indirect_dma source(%dma_start3A_201 : memref<100000x64xbf16, #tpu.memory_space<hbm>>) target(%dma_start3A_195 : memref<128x64xbf16, #tpu.memory_space<vmem>>) offsets(%dma_start3A_198 : memref<128xi32, #tpu.memory_space<vmem>>) semaphore(%arg15 : memref<!tpu.dma_semaphore, #tpu.memory_space<semaphore_mem>>)
      %mul3A_202 = arith.constant 4 : i32
      %mul3A_203 = arith.muli %mul3A_202, %scan3A_143 : i32
      %add3A_204 = arith.addi %mul3A_16, %mul3A_203 : i32
      %add3A_205 = arith.constant 1 : i32
      %add3A_206 = arith.addi %add3A_204, %add3A_205 : i32
      %add3A_207 = arith.constant 1 : i32
      %add3A_208 = arith.addi %mul3A_155, %add3A_207 : i32
      %dma_wait3A_209 = arith.constant 0 : i32
      %dma_wait3A_210 = tpu.memref_slice %arg6[%add3A_208, %dma_wait3A_209] : memref<8x128xi32, #tpu.memory_space<vmem>> -> memref<1x128xi32, #tpu.memory_space<vmem>>
      %dma_wait3A_211 = tpu.memref_squeeze %dma_wait3A_210 : memref<1x128xi32, #tpu.memory_space<vmem>> -> memref<128xi32, #tpu.memory_space<vmem>>
      %dma_wait3A_212 = arith.constant 0 : i32
      %dma_wait3A_213 = tpu.memref_slice %arg3[%arg0, %add3A_206, %dma_wait3A_212] : memref<2x2368x128xi32, #tpu.memory_space<hbm>> -> memref<1x1x128xi32, #tpu.memory_space<hbm>>
      %dma_wait3A_214 = tpu.memref_squeeze %dma_wait3A_213 : memref<1x1x128xi32, #tpu.memory_space<hbm>> -> memref<128xi32, #tpu.memory_space<hbm>>
      %dma_wait3A_215 = arith.constant 0 : i32
      %dma_wait3A_216 = tpu.memref_slice %arg6[%add3A_208, %dma_wait3A_215] : memref<8x128xi32, #tpu.memory_space<vmem>> -> memref<1x128xi32, #tpu.memory_space<vmem>>
      %dma_wait3A_217 = tpu.memref_squeeze %dma_wait3A_216 : memref<1x128xi32, #tpu.memory_space<vmem>> -> memref<128xi32, #tpu.memory_space<vmem>>
      %dma_wait3A_218 = arith.constant 0 : i32
      %dma_wait3A_219 = tpu.memref_slice %arg3[%arg0, %add3A_206, %dma_wait3A_218] : memref<2x2368x128xi32, #tpu.memory_space<hbm>> -> memref<1x1x128xi32, #tpu.memory_space<hbm>>
      %dma_wait3A_220 = tpu.memref_squeeze %dma_wait3A_219 : memref<1x1x128xi32, #tpu.memory_space<hbm>> -> memref<128xi32, #tpu.memory_space<hbm>>
      tpu.wait_dma2 semaphore(%arg12 : memref<!tpu.dma_semaphore, #tpu.memory_space<semaphore_mem>>) src(%dma_wait3A_220 : memref<128xi32, #tpu.memory_space<hbm>>) dst(%dma_wait3A_217 : memref<128xi32, #tpu.memory_space<vmem>>)
      %add3A_221 = arith.constant 1 : i32
      %add3A_222 = arith.addi %mul3A_155, %add3A_221 : i32
      %dma_wait3A_223 = arith.constant 0 : i32
      %dma_wait3A_224 = tpu.memref_slice %arg7[%add3A_222, %dma_wait3A_223] : memref<8x128xi32, #tpu.memory_space<vmem>> -> memref<1x128xi32, #tpu.memory_space<vmem>>
      %dma_wait3A_225 = tpu.memref_squeeze %dma_wait3A_224 : memref<1x128xi32, #tpu.memory_space<vmem>> -> memref<128xi32, #tpu.memory_space<vmem>>
      %dma_wait3A_226 = arith.constant 0 : i32
      %dma_wait3A_227 = tpu.memref_slice %arg4[%add3A_206, %dma_wait3A_226] : memref<2368x128xi32, #tpu.memory_space<hbm>> -> memref<1x128xi32, #tpu.memory_space<hbm>>
      %dma_wait3A_228 = tpu.memref_squeeze %dma_wait3A_227 : memref<1x128xi32, #tpu.memory_space<hbm>> -> memref<128xi32, #tpu.memory_space<hbm>>
      %dma_wait3A_229 = arith.constant 0 : i32
      %dma_wait3A_230 = tpu.memref_slice %arg7[%add3A_222, %dma_wait3A_229] : memref<8x128xi32, #tpu.memory_space<vmem>> -> memref<1x128xi32, #tpu.memory_space<vmem>>
      %dma_wait3A_231 = tpu.memref_squeeze %dma_wait3A_230 : memref<1x128xi32, #tpu.memory_space<vmem>> -> memref<128xi32, #tpu.memory_space<vmem>>
      %dma_wait3A_232 = arith.constant 0 : i32
      %dma_wait3A_233 = tpu.memref_slice %arg4[%add3A_206, %dma_wait3A_232] : memref<2368x128xi32, #tpu.memory_space<hbm>> -> memref<1x128xi32, #tpu.memory_space<hbm>>
      %dma_wait3A_234 = tpu.memref_squeeze %dma_wait3A_233 : memref<1x128xi32, #tpu.memory_space<hbm>> -> memref<128xi32, #tpu.memory_space<hbm>>
      tpu.wait_dma2 semaphore(%arg12 : memref<!tpu.dma_semaphore, #tpu.memory_space<semaphore_mem>>) src(%dma_wait3A_234 : memref<128xi32, #tpu.memory_space<hbm>>) dst(%dma_wait3A_231 : memref<128xi32, #tpu.memory_space<vmem>>)
      %add3A_235 = arith.constant 1 : i32
      %add3A_236 = arith.addi %mul3A_155, %add3A_235 : i32
      %dma_start3A_237 = arith.constant 1 : i32
      %dma_start3A_238 = arith.constant 0 : i32
      %dma_start3A_239 = arith.constant 0 : i32
      %dma_start3A_240 = tpu.memref_slice %arg8[%dma_start3A_237, %dma_start3A_238, %dma_start3A_239] : memref<4x128x64xbf16, #tpu.memory_space<vmem>> -> memref<1x128x64xbf16, #tpu.memory_space<vmem>>
      %dma_start3A_241 = tpu.memref_squeeze %dma_start3A_240 : memref<1x128x64xbf16, #tpu.memory_space<vmem>> -> memref<128x64xbf16, #tpu.memory_space<vmem>>
      %dma_start3A_242 = arith.constant 0 : i32
      %dma_start3A_243 = tpu.memref_slice %arg6[%add3A_236, %dma_start3A_242] : memref<8x128xi32, #tpu.memory_space<vmem>> -> memref<1x128xi32, #tpu.memory_space<vmem>>
      %dma_start3A_244 = tpu.memref_squeeze %dma_start3A_243 : memref<1x128xi32, #tpu.memory_space<vmem>> -> memref<128xi32, #tpu.memory_space<vmem>>
      %dma_start3A_245 = arith.constant 0 : i32
      %dma_start3A_246 = arith.constant 0 : i32
      %dma_start3A_247 = tpu.memref_slice %arg2[%dma_start3A_245, %dma_start3A_246] : memref<100000x64xbf16, #tpu.memory_space<hbm>> -> memref<100000x64xbf16, #tpu.memory_space<hbm>>
      tpu.enqueue_indirect_dma source(%dma_start3A_247 : memref<100000x64xbf16, #tpu.memory_space<hbm>>) target(%dma_start3A_241 : memref<128x64xbf16, #tpu.memory_space<vmem>>) offsets(%dma_start3A_244 : memref<128xi32, #tpu.memory_space<vmem>>) semaphore(%arg16 : memref<!tpu.dma_semaphore, #tpu.memory_space<semaphore_mem>>)
      %mul3A_248 = arith.constant 4 : i32
      %mul3A_249 = arith.muli %mul3A_248, %scan3A_143 : i32
      %add3A_250 = arith.addi %mul3A_16, %mul3A_249 : i32
      %add3A_251 = arith.constant 2 : i32
      %add3A_252 = arith.addi %add3A_250, %add3A_251 : i32
      %add3A_253 = arith.constant 2 : i32
      %add3A_254 = arith.addi %mul3A_155, %add3A_253 : i32
      %dma_wait3A_255 = arith.constant 0 : i32
      %dma_wait3A_256 = tpu.memref_slice %arg6[%add3A_254, %dma_wait3A_255] : memref<8x128xi32, #tpu.memory_space<vmem>> -> memref<1x128xi32, #tpu.memory_space<vmem>>
      %dma_wait3A_257 = tpu.memref_squeeze %dma_wait3A_256 : memref<1x128xi32, #tpu.memory_space<vmem>> -> memref<128xi32, #tpu.memory_space<vmem>>
      %dma_wait3A_258 = arith.constant 0 : i32
      %dma_wait3A_259 = tpu.memref_slice %arg3[%arg0, %add3A_252, %dma_wait3A_258] : memref<2x2368x128xi32, #tpu.memory_space<hbm>> -> memref<1x1x128xi32, #tpu.memory_space<hbm>>
      %dma_wait3A_260 = tpu.memref_squeeze %dma_wait3A_259 : memref<1x1x128xi32, #tpu.memory_space<hbm>> -> memref<128xi32, #tpu.memory_space<hbm>>
      %dma_wait3A_261 = arith.constant 0 : i32
      %dma_wait3A_262 = tpu.memref_slice %arg6[%add3A_254, %dma_wait3A_261] : memref<8x128xi32, #tpu.memory_space<vmem>> -> memref<1x128xi32, #tpu.memory_space<vmem>>
      %dma_wait3A_263 = tpu.memref_squeeze %dma_wait3A_262 : memref<1x128xi32, #tpu.memory_space<vmem>> -> memref<128xi32, #tpu.memory_space<vmem>>
      %dma_wait3A_264 = arith.constant 0 : i32
      %dma_wait3A_265 = tpu.memref_slice %arg3[%arg0, %add3A_252, %dma_wait3A_264] : memref<2x2368x128xi32, #tpu.memory_space<hbm>> -> memref<1x1x128xi32, #tpu.memory_space<hbm>>
      %dma_wait3A_266 = tpu.memref_squeeze %dma_wait3A_265 : memref<1x1x128xi32, #tpu.memory_space<hbm>> -> memref<128xi32, #tpu.memory_space<hbm>>
      tpu.wait_dma2 semaphore(%arg13 : memref<!tpu.dma_semaphore, #tpu.memory_space<semaphore_mem>>) src(%dma_wait3A_266 : memref<128xi32, #tpu.memory_space<hbm>>) dst(%dma_wait3A_263 : memref<128xi32, #tpu.memory_space<vmem>>)
      %add3A_267 = arith.constant 2 : i32
      %add3A_268 = arith.addi %mul3A_155, %add3A_267 : i32
      %dma_wait3A_269 = arith.constant 0 : i32
      %dma_wait3A_270 = tpu.memref_slice %arg7[%add3A_268, %dma_wait3A_269] : memref<8x128xi32, #tpu.memory_space<vmem>> -> memref<1x128xi32, #tpu.memory_space<vmem>>
      %dma_wait3A_271 = tpu.memref_squeeze %dma_wait3A_270 : memref<1x128xi32, #tpu.memory_space<vmem>> -> memref<128xi32, #tpu.memory_space<vmem>>
      %dma_wait3A_272 = arith.constant 0 : i32
      %dma_wait3A_273 = tpu.memref_slice %arg4[%add3A_252, %dma_wait3A_272] : memref<2368x128xi32, #tpu.memory_space<hbm>> -> memref<1x128xi32, #tpu.memory_space<hbm>>
      %dma_wait3A_274 = tpu.memref_squeeze %dma_wait3A_273 : memref<1x128xi32, #tpu.memory_space<hbm>> -> memref<128xi32, #tpu.memory_space<hbm>>
      %dma_wait3A_275 = arith.constant 0 : i32
      %dma_wait3A_276 = tpu.memref_slice %arg7[%add3A_268, %dma_wait3A_275] : memref<8x128xi32, #tpu.memory_space<vmem>> -> memref<1x128xi32, #tpu.memory_space<vmem>>
      %dma_wait3A_277 = tpu.memref_squeeze %dma_wait3A_276 : memref<1x128xi32, #tpu.memory_space<vmem>> -> memref<128xi32, #tpu.memory_space<vmem>>
      %dma_wait3A_278 = arith.constant 0 : i32
      %dma_wait3A_279 = tpu.memref_slice %arg4[%add3A_252, %dma_wait3A_278] : memref<2368x128xi32, #tpu.memory_space<hbm>> -> memref<1x128xi32, #tpu.memory_space<hbm>>
      %dma_wait3A_280 = tpu.memref_squeeze %dma_wait3A_279 : memref<1x128xi32, #tpu.memory_space<hbm>> -> memref<128xi32, #tpu.memory_space<hbm>>
      tpu.wait_dma2 semaphore(%arg13 : memref<!tpu.dma_semaphore, #tpu.memory_space<semaphore_mem>>) src(%dma_wait3A_280 : memref<128xi32, #tpu.memory_space<hbm>>) dst(%dma_wait3A_277 : memref<128xi32, #tpu.memory_space<vmem>>)
      %add3A_281 = arith.constant 2 : i32
      %add3A_282 = arith.addi %mul3A_155, %add3A_281 : i32
      %dma_start3A_283 = arith.constant 2 : i32
      %dma_start3A_284 = arith.constant 0 : i32
      %dma_start3A_285 = arith.constant 0 : i32
      %dma_start3A_286 = tpu.memref_slice %arg8[%dma_start3A_283, %dma_start3A_284, %dma_start3A_285] : memref<4x128x64xbf16, #tpu.memory_space<vmem>> -> memref<1x128x64xbf16, #tpu.memory_space<vmem>>
      %dma_start3A_287 = tpu.memref_squeeze %dma_start3A_286 : memref<1x128x64xbf16, #tpu.memory_space<vmem>> -> memref<128x64xbf16, #tpu.memory_space<vmem>>
      %dma_start3A_288 = arith.constant 0 : i32
      %dma_start3A_289 = tpu.memref_slice %arg6[%add3A_282, %dma_start3A_288] : memref<8x128xi32, #tpu.memory_space<vmem>> -> memref<1x128xi32, #tpu.memory_space<vmem>>
      %dma_start3A_290 = tpu.memref_squeeze %dma_start3A_289 : memref<1x128xi32, #tpu.memory_space<vmem>> -> memref<128xi32, #tpu.memory_space<vmem>>
      %dma_start3A_291 = arith.constant 0 : i32
      %dma_start3A_292 = arith.constant 0 : i32
      %dma_start3A_293 = tpu.memref_slice %arg2[%dma_start3A_291, %dma_start3A_292] : memref<100000x64xbf16, #tpu.memory_space<hbm>> -> memref<100000x64xbf16, #tpu.memory_space<hbm>>
      tpu.enqueue_indirect_dma source(%dma_start3A_293 : memref<100000x64xbf16, #tpu.memory_space<hbm>>) target(%dma_start3A_287 : memref<128x64xbf16, #tpu.memory_space<vmem>>) offsets(%dma_start3A_290 : memref<128xi32, #tpu.memory_space<vmem>>) semaphore(%arg17 : memref<!tpu.dma_semaphore, #tpu.memory_space<semaphore_mem>>)
      %mul3A_294 = arith.constant 4 : i32
      %mul3A_295 = arith.muli %mul3A_294, %scan3A_143 : i32
      %add3A_296 = arith.addi %mul3A_16, %mul3A_295 : i32
      %add3A_297 = arith.constant 3 : i32
      %add3A_298 = arith.addi %add3A_296, %add3A_297 : i32
      %add3A_299 = arith.constant 3 : i32
      %add3A_300 = arith.addi %mul3A_155, %add3A_299 : i32
      %dma_wait3A_301 = arith.constant 0 : i32
      %dma_wait3A_302 = tpu.memref_slice %arg6[%add3A_300, %dma_wait3A_301] : memref<8x128xi32, #tpu.memory_space<vmem>> -> memref<1x128xi32, #tpu.memory_space<vmem>>
      %dma_wait3A_303 = tpu.memref_squeeze %dma_wait3A_302 : memref<1x128xi32, #tpu.memory_space<vmem>> -> memref<128xi32, #tpu.memory_space<vmem>>
      %dma_wait3A_304 = arith.constant 0 : i32
      %dma_wait3A_305 = tpu.memref_slice %arg3[%arg0, %add3A_298, %dma_wait3A_304] : memref<2x2368x128xi32, #tpu.memory_space<hbm>> -> memref<1x1x128xi32, #tpu.memory_space<hbm>>
      %dma_wait3A_306 = tpu.memref_squeeze %dma_wait3A_305 : memref<1x1x128xi32, #tpu.memory_space<hbm>> -> memref<128xi32, #tpu.memory_space<hbm>>
      %dma_wait3A_307 = arith.constant 0 : i32
      %dma_wait3A_308 = tpu.memref_slice %arg6[%add3A_300, %dma_wait3A_307] : memref<8x128xi32, #tpu.memory_space<vmem>> -> memref<1x128xi32, #tpu.memory_space<vmem>>
      %dma_wait3A_309 = tpu.memref_squeeze %dma_wait3A_308 : memref<1x128xi32, #tpu.memory_space<vmem>> -> memref<128xi32, #tpu.memory_space<vmem>>
      %dma_wait3A_310 = arith.constant 0 : i32
      %dma_wait3A_311 = tpu.memref_slice %arg3[%arg0, %add3A_298, %dma_wait3A_310] : memref<2x2368x128xi32, #tpu.memory_space<hbm>> -> memref<1x1x128xi32, #tpu.memory_space<hbm>>
      %dma_wait3A_312 = tpu.memref_squeeze %dma_wait3A_311 : memref<1x1x128xi32, #tpu.memory_space<hbm>> -> memref<128xi32, #tpu.memory_space<hbm>>
      tpu.wait_dma2 semaphore(%arg14 : memref<!tpu.dma_semaphore, #tpu.memory_space<semaphore_mem>>) src(%dma_wait3A_312 : memref<128xi32, #tpu.memory_space<hbm>>) dst(%dma_wait3A_309 : memref<128xi32, #tpu.memory_space<vmem>>)
      %add3A_313 = arith.constant 3 : i32
      %add3A_314 = arith.addi %mul3A_155, %add3A_313 : i32
      %dma_wait3A_315 = arith.constant 0 : i32
      %dma_wait3A_316 = tpu.memref_slice %arg7[%add3A_314, %dma_wait3A_315] : memref<8x128xi32, #tpu.memory_space<vmem>> -> memref<1x128xi32, #tpu.memory_space<vmem>>
      %dma_wait3A_317 = tpu.memref_squeeze %dma_wait3A_316 : memref<1x128xi32, #tpu.memory_space<vmem>> -> memref<128xi32, #tpu.memory_space<vmem>>
      %dma_wait3A_318 = arith.constant 0 : i32
      %dma_wait3A_319 = tpu.memref_slice %arg4[%add3A_298, %dma_wait3A_318] : memref<2368x128xi32, #tpu.memory_space<hbm>> -> memref<1x128xi32, #tpu.memory_space<hbm>>
      %dma_wait3A_320 = tpu.memref_squeeze %dma_wait3A_319 : memref<1x128xi32, #tpu.memory_space<hbm>> -> memref<128xi32, #tpu.memory_space<hbm>>
      %dma_wait3A_321 = arith.constant 0 : i32
      %dma_wait3A_322 = tpu.memref_slice %arg7[%add3A_314, %dma_wait3A_321] : memref<8x128xi32, #tpu.memory_space<vmem>> -> memref<1x128xi32, #tpu.memory_space<vmem>>
      %dma_wait3A_323 = tpu.memref_squeeze %dma_wait3A_322 : memref<1x128xi32, #tpu.memory_space<vmem>> -> memref<128xi32, #tpu.memory_space<vmem>>
      %dma_wait3A_324 = arith.constant 0 : i32
      %dma_wait3A_325 = tpu.memref_slice %arg4[%add3A_298, %dma_wait3A_324] : memref<2368x128xi32, #tpu.memory_space<hbm>> -> memref<1x128xi32, #tpu.memory_space<hbm>>
      %dma_wait3A_326 = tpu.memref_squeeze %dma_wait3A_325 : memref<1x128xi32, #tpu.memory_space<hbm>> -> memref<128xi32, #tpu.memory_space<hbm>>
      tpu.wait_dma2 semaphore(%arg14 : memref<!tpu.dma_semaphore, #tpu.memory_space<semaphore_mem>>) src(%dma_wait3A_326 : memref<128xi32, #tpu.memory_space<hbm>>) dst(%dma_wait3A_323 : memref<128xi32, #tpu.memory_space<vmem>>)
      %add3A_327 = arith.constant 3 : i32
      %add3A_328 = arith.addi %mul3A_155, %add3A_327 : i32
      %dma_start3A_329 = arith.constant 3 : i32
      %dma_start3A_330 = arith.constant 0 : i32
      %dma_start3A_331 = arith.constant 0 : i32
      %dma_start3A_332 = tpu.memref_slice %arg8[%dma_start3A_329, %dma_start3A_330, %dma_start3A_331] : memref<4x128x64xbf16, #tpu.memory_space<vmem>> -> memref<1x128x64xbf16, #tpu.memory_space<vmem>>
      %dma_start3A_333 = tpu.memref_squeeze %dma_start3A_332 : memref<1x128x64xbf16, #tpu.memory_space<vmem>> -> memref<128x64xbf16, #tpu.memory_space<vmem>>
      %dma_start3A_334 = arith.constant 0 : i32
      %dma_start3A_335 = tpu.memref_slice %arg6[%add3A_328, %dma_start3A_334] : memref<8x128xi32, #tpu.memory_space<vmem>> -> memref<1x128xi32, #tpu.memory_space<vmem>>
      %dma_start3A_336 = tpu.memref_squeeze %dma_start3A_335 : memref<1x128xi32, #tpu.memory_space<vmem>> -> memref<128xi32, #tpu.memory_space<vmem>>
      %dma_start3A_337 = arith.constant 0 : i32
      %dma_start3A_338 = arith.constant 0 : i32
      %dma_start3A_339 = tpu.memref_slice %arg2[%dma_start3A_337, %dma_start3A_338] : memref<100000x64xbf16, #tpu.memory_space<hbm>> -> memref<100000x64xbf16, #tpu.memory_space<hbm>>
      tpu.enqueue_indirect_dma source(%dma_start3A_339 : memref<100000x64xbf16, #tpu.memory_space<hbm>>) target(%dma_start3A_333 : memref<128x64xbf16, #tpu.memory_space<vmem>>) offsets(%dma_start3A_336 : memref<128xi32, #tpu.memory_space<vmem>>) semaphore(%arg18 : memref<!tpu.dma_semaphore, #tpu.memory_space<semaphore_mem>>)
      %add3A_340 = arith.constant 1 : i32
      %add3A_341 = arith.addi %scan3A_143, %add3A_340 : i32
      %lt3A_342 = arith.constant 37 : i32
      %lt3A_343 = arith.cmpi slt, %add3A_341, %lt3A_342 : i32
      %convert_element_type3A = arith.extui %lt3A_343 : i1 to i32
      %cond3A = arith.constant 0 : i32
      %cond3A_344 = arith.cmpi ne, %convert_element_type3A, %cond3A : i32
      scf.if %cond3A_344 {
        %add3A_409 = arith.constant 1 : i32
        %add3A_410 = arith.addi %scan3A_143, %add3A_409 : i32
        %mul3A_411 = arith.constant 4 : i32
        %mul3A_412 = arith.muli %mul3A_411, %add3A_410 : i32
        %add3A_413 = arith.addi %mul3A_16, %mul3A_412 : i32
        %add3A_414 = arith.constant 0 : i32
        %add3A_415 = arith.addi %add3A_413, %add3A_414 : i32
        %add3A_416 = arith.constant 0 : i32
        %add3A_417 = arith.addi %sub3A_156, %add3A_416 : i32
        %dma_start3A_418 = arith.constant 0 : i32
        %dma_start3A_419 = tpu.memref_slice %arg6[%add3A_417, %dma_start3A_418] : memref<8x128xi32, #tpu.memory_space<vmem>> -> memref<1x128xi32, #tpu.memory_space<vmem>>
        %dma_start3A_420 = tpu.memref_squeeze %dma_start3A_419 : memref<1x128xi32, #tpu.memory_space<vmem>> -> memref<128xi32, #tpu.memory_space<vmem>>
        %dma_start3A_421 = arith.constant 0 : i32
        %dma_start3A_422 = tpu.memref_slice %arg3[%arg0, %add3A_415, %dma_start3A_421] : memref<2x2368x128xi32, #tpu.memory_space<hbm>> -> memref<1x1x128xi32, #tpu.memory_space<hbm>>
        %dma_start3A_423 = tpu.memref_squeeze %dma_start3A_422 : memref<1x1x128xi32, #tpu.memory_space<hbm>> -> memref<128xi32, #tpu.memory_space<hbm>>
        %dma_start3A_424 = arith.constant 0 : i32
        %dma_start3A_425 = tpu.memref_slice %arg6[%add3A_417, %dma_start3A_424] : memref<8x128xi32, #tpu.memory_space<vmem>> -> memref<1x128xi32, #tpu.memory_space<vmem>>
        %dma_start3A_426 = tpu.memref_squeeze %dma_start3A_425 : memref<1x128xi32, #tpu.memory_space<vmem>> -> memref<128xi32, #tpu.memory_space<vmem>>
        %dma_start3A_427 = arith.constant 0 : i32
        %dma_start3A_428 = tpu.memref_slice %arg3[%arg0, %add3A_415, %dma_start3A_427] : memref<2x2368x128xi32, #tpu.memory_space<hbm>> -> memref<1x1x128xi32, #tpu.memory_space<hbm>>
        %dma_start3A_429 = tpu.memref_squeeze %dma_start3A_428 : memref<1x1x128xi32, #tpu.memory_space<hbm>> -> memref<128xi32, #tpu.memory_space<hbm>>
        tpu.enqueue_dma source(%dma_start3A_429 : memref<128xi32, #tpu.memory_space<hbm>>) target(%dma_start3A_426 : memref<128xi32, #tpu.memory_space<vmem>>) target_semaphore(%arg11 : memref<!tpu.dma_semaphore, #tpu.memory_space<semaphore_mem>>)
        %add3A_430 = arith.constant 0 : i32
        %add3A_431 = arith.addi %sub3A_156, %add3A_430 : i32
        %dma_start3A_432 = arith.constant 0 : i32
        %dma_start3A_433 = tpu.memref_slice %arg7[%add3A_431, %dma_start3A_432] : memref<8x128xi32, #tpu.memory_space<vmem>> -> memref<1x128xi32, #tpu.memory_space<vmem>>
        %dma_start3A_434 = tpu.memref_squeeze %dma_start3A_433 : memref<1x128xi32, #tpu.memory_space<vmem>> -> memref<128xi32, #tpu.memory_space<vmem>>
        %dma_start3A_435 = arith.constant 0 : i32
        %dma_start3A_436 = tpu.memref_slice %arg4[%add3A_415, %dma_start3A_435] : memref<2368x128xi32, #tpu.memory_space<hbm>> -> memref<1x128xi32, #tpu.memory_space<hbm>>
        %dma_start3A_437 = tpu.memref_squeeze %dma_start3A_436 : memref<1x128xi32, #tpu.memory_space<hbm>> -> memref<128xi32, #tpu.memory_space<hbm>>
        %dma_start3A_438 = arith.constant 0 : i32
        %dma_start3A_439 = tpu.memref_slice %arg7[%add3A_431, %dma_start3A_438] : memref<8x128xi32, #tpu.memory_space<vmem>> -> memref<1x128xi32, #tpu.memory_space<vmem>>
        %dma_start3A_440 = tpu.memref_squeeze %dma_start3A_439 : memref<1x128xi32, #tpu.memory_space<vmem>> -> memref<128xi32, #tpu.memory_space<vmem>>
        %dma_start3A_441 = arith.constant 0 : i32
        %dma_start3A_442 = tpu.memref_slice %arg4[%add3A_415, %dma_start3A_441] : memref<2368x128xi32, #tpu.memory_space<hbm>> -> memref<1x128xi32, #tpu.memory_space<hbm>>
        %dma_start3A_443 = tpu.memref_squeeze %dma_start3A_442 : memref<1x128xi32, #tpu.memory_space<hbm>> -> memref<128xi32, #tpu.memory_space<hbm>>
        tpu.enqueue_dma source(%dma_start3A_443 : memref<128xi32, #tpu.memory_space<hbm>>) target(%dma_start3A_440 : memref<128xi32, #tpu.memory_space<vmem>>) target_semaphore(%arg11 : memref<!tpu.dma_semaphore, #tpu.memory_space<semaphore_mem>>)
        %add3A_444 = arith.constant 1 : i32
        %add3A_445 = arith.addi %scan3A_143, %add3A_444 : i32
        %mul3A_446 = arith.constant 4 : i32
        %mul3A_447 = arith.muli %mul3A_446, %add3A_445 : i32
        %add3A_448 = arith.addi %mul3A_16, %mul3A_447 : i32
        %add3A_449 = arith.constant 1 : i32
        %add3A_450 = arith.addi %add3A_448, %add3A_449 : i32
        %add3A_451 = arith.constant 1 : i32
        %add3A_452 = arith.addi %sub3A_156, %add3A_451 : i32
        %dma_start3A_453 = arith.constant 0 : i32
        %dma_start3A_454 = tpu.memref_slice %arg6[%add3A_452, %dma_start3A_453] : memref<8x128xi32, #tpu.memory_space<vmem>> -> memref<1x128xi32, #tpu.memory_space<vmem>>
        %dma_start3A_455 = tpu.memref_squeeze %dma_start3A_454 : memref<1x128xi32, #tpu.memory_space<vmem>> -> memref<128xi32, #tpu.memory_space<vmem>>
        %dma_start3A_456 = arith.constant 0 : i32
        %dma_start3A_457 = tpu.memref_slice %arg3[%arg0, %add3A_450, %dma_start3A_456] : memref<2x2368x128xi32, #tpu.memory_space<hbm>> -> memref<1x1x128xi32, #tpu.memory_space<hbm>>
        %dma_start3A_458 = tpu.memref_squeeze %dma_start3A_457 : memref<1x1x128xi32, #tpu.memory_space<hbm>> -> memref<128xi32, #tpu.memory_space<hbm>>
        %dma_start3A_459 = arith.constant 0 : i32
        %dma_start3A_460 = tpu.memref_slice %arg6[%add3A_452, %dma_start3A_459] : memref<8x128xi32, #tpu.memory_space<vmem>> -> memref<1x128xi32, #tpu.memory_space<vmem>>
        %dma_start3A_461 = tpu.memref_squeeze %dma_start3A_460 : memref<1x128xi32, #tpu.memory_space<vmem>> -> memref<128xi32, #tpu.memory_space<vmem>>
        %dma_start3A_462 = arith.constant 0 : i32
        %dma_start3A_463 = tpu.memref_slice %arg3[%arg0, %add3A_450, %dma_start3A_462] : memref<2x2368x128xi32, #tpu.memory_space<hbm>> -> memref<1x1x128xi32, #tpu.memory_space<hbm>>
        %dma_start3A_464 = tpu.memref_squeeze %dma_start3A_463 : memref<1x1x128xi32, #tpu.memory_space<hbm>> -> memref<128xi32, #tpu.memory_space<hbm>>
        tpu.enqueue_dma source(%dma_start3A_464 : memref<128xi32, #tpu.memory_space<hbm>>) target(%dma_start3A_461 : memref<128xi32, #tpu.memory_space<vmem>>) target_semaphore(%arg12 : memref<!tpu.dma_semaphore, #tpu.memory_space<semaphore_mem>>)
        %add3A_465 = arith.constant 1 : i32
        %add3A_466 = arith.addi %sub3A_156, %add3A_465 : i32
        %dma_start3A_467 = arith.constant 0 : i32
        %dma_start3A_468 = tpu.memref_slice %arg7[%add3A_466, %dma_start3A_467] : memref<8x128xi32, #tpu.memory_space<vmem>> -> memref<1x128xi32, #tpu.memory_space<vmem>>
        %dma_start3A_469 = tpu.memref_squeeze %dma_start3A_468 : memref<1x128xi32, #tpu.memory_space<vmem>> -> memref<128xi32, #tpu.memory_space<vmem>>
        %dma_start3A_470 = arith.constant 0 : i32
        %dma_start3A_471 = tpu.memref_slice %arg4[%add3A_450, %dma_start3A_470] : memref<2368x128xi32, #tpu.memory_space<hbm>> -> memref<1x128xi32, #tpu.memory_space<hbm>>
        %dma_start3A_472 = tpu.memref_squeeze %dma_start3A_471 : memref<1x128xi32, #tpu.memory_space<hbm>> -> memref<128xi32, #tpu.memory_space<hbm>>
        %dma_start3A_473 = arith.constant 0 : i32
        %dma_start3A_474 = tpu.memref_slice %arg7[%add3A_466, %dma_start3A_473] : memref<8x128xi32, #tpu.memory_space<vmem>> -> memref<1x128xi32, #tpu.memory_space<vmem>>
        %dma_start3A_475 = tpu.memref_squeeze %dma_start3A_474 : memref<1x128xi32, #tpu.memory_space<vmem>> -> memref<128xi32, #tpu.memory_space<vmem>>
        %dma_start3A_476 = arith.constant 0 : i32
        %dma_start3A_477 = tpu.memref_slice %arg4[%add3A_450, %dma_start3A_476] : memref<2368x128xi32, #tpu.memory_space<hbm>> -> memref<1x128xi32, #tpu.memory_space<hbm>>
        %dma_start3A_478 = tpu.memref_squeeze %dma_start3A_477 : memref<1x128xi32, #tpu.memory_space<hbm>> -> memref<128xi32, #tpu.memory_space<hbm>>
        tpu.enqueue_dma source(%dma_start3A_478 : memref<128xi32, #tpu.memory_space<hbm>>) target(%dma_start3A_475 : memref<128xi32, #tpu.memory_space<vmem>>) target_semaphore(%arg12 : memref<!tpu.dma_semaphore, #tpu.memory_space<semaphore_mem>>)
        %add3A_479 = arith.constant 1 : i32
        %add3A_480 = arith.addi %scan3A_143, %add3A_479 : i32
        %mul3A_481 = arith.constant 4 : i32
        %mul3A_482 = arith.muli %mul3A_481, %add3A_480 : i32
        %add3A_483 = arith.addi %mul3A_16, %mul3A_482 : i32
        %add3A_484 = arith.constant 2 : i32
        %add3A_485 = arith.addi %add3A_483, %add3A_484 : i32
        %add3A_486 = arith.constant 2 : i32
        %add3A_487 = arith.addi %sub3A_156, %add3A_486 : i32
        %dma_start3A_488 = arith.constant 0 : i32
        %dma_start3A_489 = tpu.memref_slice %arg6[%add3A_487, %dma_start3A_488] : memref<8x128xi32, #tpu.memory_space<vmem>> -> memref<1x128xi32, #tpu.memory_space<vmem>>
        %dma_start3A_490 = tpu.memref_squeeze %dma_start3A_489 : memref<1x128xi32, #tpu.memory_space<vmem>> -> memref<128xi32, #tpu.memory_space<vmem>>
        %dma_start3A_491 = arith.constant 0 : i32
        %dma_start3A_492 = tpu.memref_slice %arg3[%arg0, %add3A_485, %dma_start3A_491] : memref<2x2368x128xi32, #tpu.memory_space<hbm>> -> memref<1x1x128xi32, #tpu.memory_space<hbm>>
        %dma_start3A_493 = tpu.memref_squeeze %dma_start3A_492 : memref<1x1x128xi32, #tpu.memory_space<hbm>> -> memref<128xi32, #tpu.memory_space<hbm>>
        %dma_start3A_494 = arith.constant 0 : i32
        %dma_start3A_495 = tpu.memref_slice %arg6[%add3A_487, %dma_start3A_494] : memref<8x128xi32, #tpu.memory_space<vmem>> -> memref<1x128xi32, #tpu.memory_space<vmem>>
        %dma_start3A_496 = tpu.memref_squeeze %dma_start3A_495 : memref<1x128xi32, #tpu.memory_space<vmem>> -> memref<128xi32, #tpu.memory_space<vmem>>
        %dma_start3A_497 = arith.constant 0 : i32
        %dma_start3A_498 = tpu.memref_slice %arg3[%arg0, %add3A_485, %dma_start3A_497] : memref<2x2368x128xi32, #tpu.memory_space<hbm>> -> memref<1x1x128xi32, #tpu.memory_space<hbm>>
        %dma_start3A_499 = tpu.memref_squeeze %dma_start3A_498 : memref<1x1x128xi32, #tpu.memory_space<hbm>> -> memref<128xi32, #tpu.memory_space<hbm>>
        tpu.enqueue_dma source(%dma_start3A_499 : memref<128xi32, #tpu.memory_space<hbm>>) target(%dma_start3A_496 : memref<128xi32, #tpu.memory_space<vmem>>) target_semaphore(%arg13 : memref<!tpu.dma_semaphore, #tpu.memory_space<semaphore_mem>>)
        %add3A_500 = arith.constant 2 : i32
        %add3A_501 = arith.addi %sub3A_156, %add3A_500 : i32
        %dma_start3A_502 = arith.constant 0 : i32
        %dma_start3A_503 = tpu.memref_slice %arg7[%add3A_501, %dma_start3A_502] : memref<8x128xi32, #tpu.memory_space<vmem>> -> memref<1x128xi32, #tpu.memory_space<vmem>>
        %dma_start3A_504 = tpu.memref_squeeze %dma_start3A_503 : memref<1x128xi32, #tpu.memory_space<vmem>> -> memref<128xi32, #tpu.memory_space<vmem>>
        %dma_start3A_505 = arith.constant 0 : i32
        %dma_start3A_506 = tpu.memref_slice %arg4[%add3A_485, %dma_start3A_505] : memref<2368x128xi32, #tpu.memory_space<hbm>> -> memref<1x128xi32, #tpu.memory_space<hbm>>
        %dma_start3A_507 = tpu.memref_squeeze %dma_start3A_506 : memref<1x128xi32, #tpu.memory_space<hbm>> -> memref<128xi32, #tpu.memory_space<hbm>>
        %dma_start3A_508 = arith.constant 0 : i32
        %dma_start3A_509 = tpu.memref_slice %arg7[%add3A_501, %dma_start3A_508] : memref<8x128xi32, #tpu.memory_space<vmem>> -> memref<1x128xi32, #tpu.memory_space<vmem>>
        %dma_start3A_510 = tpu.memref_squeeze %dma_start3A_509 : memref<1x128xi32, #tpu.memory_space<vmem>> -> memref<128xi32, #tpu.memory_space<vmem>>
        %dma_start3A_511 = arith.constant 0 : i32
        %dma_start3A_512 = tpu.memref_slice %arg4[%add3A_485, %dma_start3A_511] : memref<2368x128xi32, #tpu.memory_space<hbm>> -> memref<1x128xi32, #tpu.memory_space<hbm>>
        %dma_start3A_513 = tpu.memref_squeeze %dma_start3A_512 : memref<1x128xi32, #tpu.memory_space<hbm>> -> memref<128xi32, #tpu.memory_space<hbm>>
        tpu.enqueue_dma source(%dma_start3A_513 : memref<128xi32, #tpu.memory_space<hbm>>) target(%dma_start3A_510 : memref<128xi32, #tpu.memory_space<vmem>>) target_semaphore(%arg13 : memref<!tpu.dma_semaphore, #tpu.memory_space<semaphore_mem>>)
        %add3A_514 = arith.constant 1 : i32
        %add3A_515 = arith.addi %scan3A_143, %add3A_514 : i32
        %mul3A_516 = arith.constant 4 : i32
        %mul3A_517 = arith.muli %mul3A_516, %add3A_515 : i32
        %add3A_518 = arith.addi %mul3A_16, %mul3A_517 : i32
        %add3A_519 = arith.constant 3 : i32
        %add3A_520 = arith.addi %add3A_518, %add3A_519 : i32
        %add3A_521 = arith.constant 3 : i32
        %add3A_522 = arith.addi %sub3A_156, %add3A_521 : i32
        %dma_start3A_523 = arith.constant 0 : i32
        %dma_start3A_524 = tpu.memref_slice %arg6[%add3A_522, %dma_start3A_523] : memref<8x128xi32, #tpu.memory_space<vmem>> -> memref<1x128xi32, #tpu.memory_space<vmem>>
        %dma_start3A_525 = tpu.memref_squeeze %dma_start3A_524 : memref<1x128xi32, #tpu.memory_space<vmem>> -> memref<128xi32, #tpu.memory_space<vmem>>
        %dma_start3A_526 = arith.constant 0 : i32
        %dma_start3A_527 = tpu.memref_slice %arg3[%arg0, %add3A_520, %dma_start3A_526] : memref<2x2368x128xi32, #tpu.memory_space<hbm>> -> memref<1x1x128xi32, #tpu.memory_space<hbm>>
        %dma_start3A_528 = tpu.memref_squeeze %dma_start3A_527 : memref<1x1x128xi32, #tpu.memory_space<hbm>> -> memref<128xi32, #tpu.memory_space<hbm>>
        %dma_start3A_529 = arith.constant 0 : i32
        %dma_start3A_530 = tpu.memref_slice %arg6[%add3A_522, %dma_start3A_529] : memref<8x128xi32, #tpu.memory_space<vmem>> -> memref<1x128xi32, #tpu.memory_space<vmem>>
        %dma_start3A_531 = tpu.memref_squeeze %dma_start3A_530 : memref<1x128xi32, #tpu.memory_space<vmem>> -> memref<128xi32, #tpu.memory_space<vmem>>
        %dma_start3A_532 = arith.constant 0 : i32
        %dma_start3A_533 = tpu.memref_slice %arg3[%arg0, %add3A_520, %dma_start3A_532] : memref<2x2368x128xi32, #tpu.memory_space<hbm>> -> memref<1x1x128xi32, #tpu.memory_space<hbm>>
        %dma_start3A_534 = tpu.memref_squeeze %dma_start3A_533 : memref<1x1x128xi32, #tpu.memory_space<hbm>> -> memref<128xi32, #tpu.memory_space<hbm>>
        tpu.enqueue_dma source(%dma_start3A_534 : memref<128xi32, #tpu.memory_space<hbm>>) target(%dma_start3A_531 : memref<128xi32, #tpu.memory_space<vmem>>) target_semaphore(%arg14 : memref<!tpu.dma_semaphore, #tpu.memory_space<semaphore_mem>>)
        %add3A_535 = arith.constant 3 : i32
        %add3A_536 = arith.addi %sub3A_156, %add3A_535 : i32
        %dma_start3A_537 = arith.constant 0 : i32
        %dma_start3A_538 = tpu.memref_slice %arg7[%add3A_536, %dma_start3A_537] : memref<8x128xi32, #tpu.memory_space<vmem>> -> memref<1x128xi32, #tpu.memory_space<vmem>>
        %dma_start3A_539 = tpu.memref_squeeze %dma_start3A_538 : memref<1x128xi32, #tpu.memory_space<vmem>> -> memref<128xi32, #tpu.memory_space<vmem>>
        %dma_start3A_540 = arith.constant 0 : i32
        %dma_start3A_541 = tpu.memref_slice %arg4[%add3A_520, %dma_start3A_540] : memref<2368x128xi32, #tpu.memory_space<hbm>> -> memref<1x128xi32, #tpu.memory_space<hbm>>
        %dma_start3A_542 = tpu.memref_squeeze %dma_start3A_541 : memref<1x128xi32, #tpu.memory_space<hbm>> -> memref<128xi32, #tpu.memory_space<hbm>>
        %dma_start3A_543 = arith.constant 0 : i32
        %dma_start3A_544 = tpu.memref_slice %arg7[%add3A_536, %dma_start3A_543] : memref<8x128xi32, #tpu.memory_space<vmem>> -> memref<1x128xi32, #tpu.memory_space<vmem>>
        %dma_start3A_545 = tpu.memref_squeeze %dma_start3A_544 : memref<1x128xi32, #tpu.memory_space<vmem>> -> memref<128xi32, #tpu.memory_space<vmem>>
        %dma_start3A_546 = arith.constant 0 : i32
        %dma_start3A_547 = tpu.memref_slice %arg4[%add3A_520, %dma_start3A_546] : memref<2368x128xi32, #tpu.memory_space<hbm>> -> memref<1x128xi32, #tpu.memory_space<hbm>>
        %dma_start3A_548 = tpu.memref_squeeze %dma_start3A_547 : memref<1x128xi32, #tpu.memory_space<hbm>> -> memref<128xi32, #tpu.memory_space<hbm>>
        tpu.enqueue_dma source(%dma_start3A_548 : memref<128xi32, #tpu.memory_space<hbm>>) target(%dma_start3A_545 : memref<128xi32, #tpu.memory_space<vmem>>) target_semaphore(%arg14 : memref<!tpu.dma_semaphore, #tpu.memory_space<semaphore_mem>>)
      } else {
      }
      %add3A_345 = arith.constant 0 : i32
      %add3A_346 = arith.addi %mul3A_155, %add3A_345 : i32
      %dma_wait3A_347 = arith.constant 0 : i32
      %dma_wait3A_348 = arith.constant 0 : i32
      %dma_wait3A_349 = arith.constant 0 : i32
      %dma_wait3A_350 = tpu.memref_slice %arg8[%dma_wait3A_347, %dma_wait3A_348, %dma_wait3A_349] : memref<4x128x64xbf16, #tpu.memory_space<vmem>> -> memref<1x128x64xbf16, #tpu.memory_space<vmem>>
      %dma_wait3A_351 = tpu.memref_squeeze %dma_wait3A_350 : memref<1x128x64xbf16, #tpu.memory_space<vmem>> -> memref<128x64xbf16, #tpu.memory_space<vmem>>
      %dma_wait3A_352 = arith.constant 0 : i32
      %dma_wait3A_353 = tpu.memref_slice %arg6[%add3A_346, %dma_wait3A_352] : memref<8x128xi32, #tpu.memory_space<vmem>> -> memref<1x128xi32, #tpu.memory_space<vmem>>
      %dma_wait3A_354 = tpu.memref_squeeze %dma_wait3A_353 : memref<1x128xi32, #tpu.memory_space<vmem>> -> memref<128xi32, #tpu.memory_space<vmem>>
      %dma_wait3A_355 = arith.constant 0 : i32
      %dma_wait3A_356 = arith.constant 0 : i32
      %dma_wait3A_357 = tpu.memref_slice %arg2[%dma_wait3A_355, %dma_wait3A_356] : memref<100000x64xbf16, #tpu.memory_space<hbm>> -> memref<100000x64xbf16, #tpu.memory_space<hbm>>
      tpu.wait_indirect_dma semaphore(%arg15 : memref<!tpu.dma_semaphore, #tpu.memory_space<semaphore_mem>>) src(%dma_wait3A_357 : memref<100000x64xbf16, #tpu.memory_space<hbm>>) dst(%dma_wait3A_351 : memref<128x64xbf16, #tpu.memory_space<vmem>>)
      %add3A_358 = arith.constant 0 : i32
      %add3A_359 = arith.addi %mul3A_155, %add3A_358 : i32
      %run_scoped3A = arith.constant 0 : i32
      "tpu.region"() ({
        %run_scoped3A_409 = tpu.sem_alloc : memref<!tpu.dma_semaphore, #tpu.memory_space<semaphore_mem>>
        %dma_start3A_410 = arith.constant 0 : i32
        %dma_start3A_411 = arith.constant 0 : i32
        %dma_start3A_412 = tpu.memref_slice %arg8[%run_scoped3A, %dma_start3A_410, %dma_start3A_411] : memref<4x128x64xbf16, #tpu.memory_space<vmem>> -> memref<1x128x64xbf16, #tpu.memory_space<vmem>>
        %dma_start3A_413 = tpu.memref_squeeze %dma_start3A_412 : memref<1x128x64xbf16, #tpu.memory_space<vmem>> -> memref<128x64xbf16, #tpu.memory_space<vmem>>
        %dma_start3A_414 = arith.constant 0 : i32
        %dma_start3A_415 = tpu.memref_slice %arg7[%add3A_359, %dma_start3A_414] : memref<8x128xi32, #tpu.memory_space<vmem>> -> memref<1x128xi32, #tpu.memory_space<vmem>>
        %dma_start3A_416 = tpu.memref_squeeze %dma_start3A_415 : memref<1x128xi32, #tpu.memory_space<vmem>> -> memref<128xi32, #tpu.memory_space<vmem>>
        %dma_start3A_417 = arith.constant 0 : i32
        %dma_start3A_418 = arith.constant 0 : i32
        %dma_start3A_419 = tpu.memref_slice %arg10[%dma_start3A_417, %dma_start3A_418] : memref<50176x64xbf16, #tpu.memory_space<vmem_shared>> -> memref<50176x64xbf16, #tpu.memory_space<vmem_shared>>
        tpu.enqueue_indirect_dma source(%dma_start3A_413 : memref<128x64xbf16, #tpu.memory_space<vmem>>) target(%dma_start3A_419 : memref<50176x64xbf16, #tpu.memory_space<vmem_shared>>) offsets(%dma_start3A_416 : memref<128xi32, #tpu.memory_space<vmem>>) semaphore(%run_scoped3A_409 : memref<!tpu.dma_semaphore, #tpu.memory_space<semaphore_mem>>) {add = true}
        %dma_wait3A_420 = arith.constant 0 : i32
        %dma_wait3A_421 = arith.constant 0 : i32
        %dma_wait3A_422 = tpu.memref_slice %arg8[%run_scoped3A, %dma_wait3A_420, %dma_wait3A_421] : memref<4x128x64xbf16, #tpu.memory_space<vmem>> -> memref<1x128x64xbf16, #tpu.memory_space<vmem>>
        %dma_wait3A_423 = tpu.memref_squeeze %dma_wait3A_422 : memref<1x128x64xbf16, #tpu.memory_space<vmem>> -> memref<128x64xbf16, #tpu.memory_space<vmem>>
        %dma_wait3A_424 = arith.constant 0 : i32
        %dma_wait3A_425 = tpu.memref_slice %arg7[%add3A_359, %dma_wait3A_424] : memref<8x128xi32, #tpu.memory_space<vmem>> -> memref<1x128xi32, #tpu.memory_space<vmem>>
        %dma_wait3A_426 = tpu.memref_squeeze %dma_wait3A_425 : memref<1x128xi32, #tpu.memory_space<vmem>> -> memref<128xi32, #tpu.memory_space<vmem>>
        %dma_wait3A_427 = arith.constant 0 : i32
        %dma_wait3A_428 = arith.constant 0 : i32
        %dma_wait3A_429 = tpu.memref_slice %arg10[%dma_wait3A_427, %dma_wait3A_428] : memref<50176x64xbf16, #tpu.memory_space<vmem_shared>> -> memref<50176x64xbf16, #tpu.memory_space<vmem_shared>>
        tpu.wait_indirect_dma semaphore(%run_scoped3A_409 : memref<!tpu.dma_semaphore, #tpu.memory_space<semaphore_mem>>) src(%dma_wait3A_423 : memref<128x64xbf16, #tpu.memory_space<vmem>>) dst(%dma_wait3A_429 : memref<50176x64xbf16, #tpu.memory_space<vmem_shared>>)
        tpu.yield
      }) : () -> ()
      %add3A_360 = arith.constant 1 : i32
      %add3A_361 = arith.addi %mul3A_155, %add3A_360 : i32
      %dma_wait3A_362 = arith.constant 1 : i32
      %dma_wait3A_363 = arith.constant 0 : i32
      %dma_wait3A_364 = arith.constant 0 : i32
      %dma_wait3A_365 = tpu.memref_slice %arg8[%dma_wait3A_362, %dma_wait3A_363, %dma_wait3A_364] : memref<4x128x64xbf16, #tpu.memory_space<vmem>> -> memref<1x128x64xbf16, #tpu.memory_space<vmem>>
      %dma_wait3A_366 = tpu.memref_squeeze %dma_wait3A_365 : memref<1x128x64xbf16, #tpu.memory_space<vmem>> -> memref<128x64xbf16, #tpu.memory_space<vmem>>
      %dma_wait3A_367 = arith.constant 0 : i32
      %dma_wait3A_368 = tpu.memref_slice %arg6[%add3A_361, %dma_wait3A_367] : memref<8x128xi32, #tpu.memory_space<vmem>> -> memref<1x128xi32, #tpu.memory_space<vmem>>
      %dma_wait3A_369 = tpu.memref_squeeze %dma_wait3A_368 : memref<1x128xi32, #tpu.memory_space<vmem>> -> memref<128xi32, #tpu.memory_space<vmem>>
      %dma_wait3A_370 = arith.constant 0 : i32
      %dma_wait3A_371 = arith.constant 0 : i32
      %dma_wait3A_372 = tpu.memref_slice %arg2[%dma_wait3A_370, %dma_wait3A_371] : memref<100000x64xbf16, #tpu.memory_space<hbm>> -> memref<100000x64xbf16, #tpu.memory_space<hbm>>
      tpu.wait_indirect_dma semaphore(%arg16 : memref<!tpu.dma_semaphore, #tpu.memory_space<semaphore_mem>>) src(%dma_wait3A_372 : memref<100000x64xbf16, #tpu.memory_space<hbm>>) dst(%dma_wait3A_366 : memref<128x64xbf16, #tpu.memory_space<vmem>>)
      %add3A_373 = arith.constant 1 : i32
      %add3A_374 = arith.addi %mul3A_155, %add3A_373 : i32
      %run_scoped3A_375 = arith.constant 1 : i32
      "tpu.region"() ({
        %run_scoped3A_409 = tpu.sem_alloc : memref<!tpu.dma_semaphore, #tpu.memory_space<semaphore_mem>>
        %dma_start3A_410 = arith.constant 0 : i32
        %dma_start3A_411 = arith.constant 0 : i32
        %dma_start3A_412 = tpu.memref_slice %arg8[%run_scoped3A_375, %dma_start3A_410, %dma_start3A_411] : memref<4x128x64xbf16, #tpu.memory_space<vmem>> -> memref<1x128x64xbf16, #tpu.memory_space<vmem>>
        %dma_start3A_413 = tpu.memref_squeeze %dma_start3A_412 : memref<1x128x64xbf16, #tpu.memory_space<vmem>> -> memref<128x64xbf16, #tpu.memory_space<vmem>>
        %dma_start3A_414 = arith.constant 0 : i32
        %dma_start3A_415 = tpu.memref_slice %arg7[%add3A_374, %dma_start3A_414] : memref<8x128xi32, #tpu.memory_space<vmem>> -> memref<1x128xi32, #tpu.memory_space<vmem>>
        %dma_start3A_416 = tpu.memref_squeeze %dma_start3A_415 : memref<1x128xi32, #tpu.memory_space<vmem>> -> memref<128xi32, #tpu.memory_space<vmem>>
        %dma_start3A_417 = arith.constant 0 : i32
        %dma_start3A_418 = arith.constant 0 : i32
        %dma_start3A_419 = tpu.memref_slice %arg10[%dma_start3A_417, %dma_start3A_418] : memref<50176x64xbf16, #tpu.memory_space<vmem_shared>> -> memref<50176x64xbf16, #tpu.memory_space<vmem_shared>>
        tpu.enqueue_indirect_dma source(%dma_start3A_413 : memref<128x64xbf16, #tpu.memory_space<vmem>>) target(%dma_start3A_419 : memref<50176x64xbf16, #tpu.memory_space<vmem_shared>>) offsets(%dma_start3A_416 : memref<128xi32, #tpu.memory_space<vmem>>) semaphore(%run_scoped3A_409 : memref<!tpu.dma_semaphore, #tpu.memory_space<semaphore_mem>>) {add = true}
        %dma_wait3A_420 = arith.constant 0 : i32
        %dma_wait3A_421 = arith.constant 0 : i32
        %dma_wait3A_422 = tpu.memref_slice %arg8[%run_scoped3A_375, %dma_wait3A_420, %dma_wait3A_421] : memref<4x128x64xbf16, #tpu.memory_space<vmem>> -> memref<1x128x64xbf16, #tpu.memory_space<vmem>>
        %dma_wait3A_423 = tpu.memref_squeeze %dma_wait3A_422 : memref<1x128x64xbf16, #tpu.memory_space<vmem>> -> memref<128x64xbf16, #tpu.memory_space<vmem>>
        %dma_wait3A_424 = arith.constant 0 : i32
        %dma_wait3A_425 = tpu.memref_slice %arg7[%add3A_374, %dma_wait3A_424] : memref<8x128xi32, #tpu.memory_space<vmem>> -> memref<1x128xi32, #tpu.memory_space<vmem>>
        %dma_wait3A_426 = tpu.memref_squeeze %dma_wait3A_425 : memref<1x128xi32, #tpu.memory_space<vmem>> -> memref<128xi32, #tpu.memory_space<vmem>>
        %dma_wait3A_427 = arith.constant 0 : i32
        %dma_wait3A_428 = arith.constant 0 : i32
        %dma_wait3A_429 = tpu.memref_slice %arg10[%dma_wait3A_427, %dma_wait3A_428] : memref<50176x64xbf16, #tpu.memory_space<vmem_shared>> -> memref<50176x64xbf16, #tpu.memory_space<vmem_shared>>
        tpu.wait_indirect_dma semaphore(%run_scoped3A_409 : memref<!tpu.dma_semaphore, #tpu.memory_space<semaphore_mem>>) src(%dma_wait3A_423 : memref<128x64xbf16, #tpu.memory_space<vmem>>) dst(%dma_wait3A_429 : memref<50176x64xbf16, #tpu.memory_space<vmem_shared>>)
        tpu.yield
      }) : () -> ()
      %add3A_376 = arith.constant 2 : i32
      %add3A_377 = arith.addi %mul3A_155, %add3A_376 : i32
      %dma_wait3A_378 = arith.constant 2 : i32
      %dma_wait3A_379 = arith.constant 0 : i32
      %dma_wait3A_380 = arith.constant 0 : i32
      %dma_wait3A_381 = tpu.memref_slice %arg8[%dma_wait3A_378, %dma_wait3A_379, %dma_wait3A_380] : memref<4x128x64xbf16, #tpu.memory_space<vmem>> -> memref<1x128x64xbf16, #tpu.memory_space<vmem>>
      %dma_wait3A_382 = tpu.memref_squeeze %dma_wait3A_381 : memref<1x128x64xbf16, #tpu.memory_space<vmem>> -> memref<128x64xbf16, #tpu.memory_space<vmem>>
      %dma_wait3A_383 = arith.constant 0 : i32
      %dma_wait3A_384 = tpu.memref_slice %arg6[%add3A_377, %dma_wait3A_383] : memref<8x128xi32, #tpu.memory_space<vmem>> -> memref<1x128xi32, #tpu.memory_space<vmem>>
      %dma_wait3A_385 = tpu.memref_squeeze %dma_wait3A_384 : memref<1x128xi32, #tpu.memory_space<vmem>> -> memref<128xi32, #tpu.memory_space<vmem>>
      %dma_wait3A_386 = arith.constant 0 : i32
      %dma_wait3A_387 = arith.constant 0 : i32
      %dma_wait3A_388 = tpu.memref_slice %arg2[%dma_wait3A_386, %dma_wait3A_387] : memref<100000x64xbf16, #tpu.memory_space<hbm>> -> memref<100000x64xbf16, #tpu.memory_space<hbm>>
      tpu.wait_indirect_dma semaphore(%arg17 : memref<!tpu.dma_semaphore, #tpu.memory_space<semaphore_mem>>) src(%dma_wait3A_388 : memref<100000x64xbf16, #tpu.memory_space<hbm>>) dst(%dma_wait3A_382 : memref<128x64xbf16, #tpu.memory_space<vmem>>)
      %add3A_389 = arith.constant 2 : i32
      %add3A_390 = arith.addi %mul3A_155, %add3A_389 : i32
      %run_scoped3A_391 = arith.constant 2 : i32
      "tpu.region"() ({
        %run_scoped3A_409 = tpu.sem_alloc : memref<!tpu.dma_semaphore, #tpu.memory_space<semaphore_mem>>
        %dma_start3A_410 = arith.constant 0 : i32
        %dma_start3A_411 = arith.constant 0 : i32
        %dma_start3A_412 = tpu.memref_slice %arg8[%run_scoped3A_391, %dma_start3A_410, %dma_start3A_411] : memref<4x128x64xbf16, #tpu.memory_space<vmem>> -> memref<1x128x64xbf16, #tpu.memory_space<vmem>>
        %dma_start3A_413 = tpu.memref_squeeze %dma_start3A_412 : memref<1x128x64xbf16, #tpu.memory_space<vmem>> -> memref<128x64xbf16, #tpu.memory_space<vmem>>
        %dma_start3A_414 = arith.constant 0 : i32
        %dma_start3A_415 = tpu.memref_slice %arg7[%add3A_390, %dma_start3A_414] : memref<8x128xi32, #tpu.memory_space<vmem>> -> memref<1x128xi32, #tpu.memory_space<vmem>>
        %dma_start3A_416 = tpu.memref_squeeze %dma_start3A_415 : memref<1x128xi32, #tpu.memory_space<vmem>> -> memref<128xi32, #tpu.memory_space<vmem>>
        %dma_start3A_417 = arith.constant 0 : i32
        %dma_start3A_418 = arith.constant 0 : i32
        %dma_start3A_419 = tpu.memref_slice %arg10[%dma_start3A_417, %dma_start3A_418] : memref<50176x64xbf16, #tpu.memory_space<vmem_shared>> -> memref<50176x64xbf16, #tpu.memory_space<vmem_shared>>
        tpu.enqueue_indirect_dma source(%dma_start3A_413 : memref<128x64xbf16, #tpu.memory_space<vmem>>) target(%dma_start3A_419 : memref<50176x64xbf16, #tpu.memory_space<vmem_shared>>) offsets(%dma_start3A_416 : memref<128xi32, #tpu.memory_space<vmem>>) semaphore(%run_scoped3A_409 : memref<!tpu.dma_semaphore, #tpu.memory_space<semaphore_mem>>) {add = true}
        %dma_wait3A_420 = arith.constant 0 : i32
        %dma_wait3A_421 = arith.constant 0 : i32
        %dma_wait3A_422 = tpu.memref_slice %arg8[%run_scoped3A_391, %dma_wait3A_420, %dma_wait3A_421] : memref<4x128x64xbf16, #tpu.memory_space<vmem>> -> memref<1x128x64xbf16, #tpu.memory_space<vmem>>
        %dma_wait3A_423 = tpu.memref_squeeze %dma_wait3A_422 : memref<1x128x64xbf16, #tpu.memory_space<vmem>> -> memref<128x64xbf16, #tpu.memory_space<vmem>>
        %dma_wait3A_424 = arith.constant 0 : i32
        %dma_wait3A_425 = tpu.memref_slice %arg7[%add3A_390, %dma_wait3A_424] : memref<8x128xi32, #tpu.memory_space<vmem>> -> memref<1x128xi32, #tpu.memory_space<vmem>>
        %dma_wait3A_426 = tpu.memref_squeeze %dma_wait3A_425 : memref<1x128xi32, #tpu.memory_space<vmem>> -> memref<128xi32, #tpu.memory_space<vmem>>
        %dma_wait3A_427 = arith.constant 0 : i32
        %dma_wait3A_428 = arith.constant 0 : i32
        %dma_wait3A_429 = tpu.memref_slice %arg10[%dma_wait3A_427, %dma_wait3A_428] : memref<50176x64xbf16, #tpu.memory_space<vmem_shared>> -> memref<50176x64xbf16, #tpu.memory_space<vmem_shared>>
        tpu.wait_indirect_dma semaphore(%run_scoped3A_409 : memref<!tpu.dma_semaphore, #tpu.memory_space<semaphore_mem>>) src(%dma_wait3A_423 : memref<128x64xbf16, #tpu.memory_space<vmem>>) dst(%dma_wait3A_429 : memref<50176x64xbf16, #tpu.memory_space<vmem_shared>>)
        tpu.yield
      }) : () -> ()
      %add3A_392 = arith.constant 3 : i32
      %add3A_393 = arith.addi %mul3A_155, %add3A_392 : i32
      %dma_wait3A_394 = arith.constant 3 : i32
      %dma_wait3A_395 = arith.constant 0 : i32
      %dma_wait3A_396 = arith.constant 0 : i32
      %dma_wait3A_397 = tpu.memref_slice %arg8[%dma_wait3A_394, %dma_wait3A_395, %dma_wait3A_396] : memref<4x128x64xbf16, #tpu.memory_space<vmem>> -> memref<1x128x64xbf16, #tpu.memory_space<vmem>>
      %dma_wait3A_398 = tpu.memref_squeeze %dma_wait3A_397 : memref<1x128x64xbf16, #tpu.memory_space<vmem>> -> memref<128x64xbf16, #tpu.memory_space<vmem>>
      %dma_wait3A_399 = arith.constant 0 : i32
      %dma_wait3A_400 = tpu.memref_slice %arg6[%add3A_393, %dma_wait3A_399] : memref<8x128xi32, #tpu.memory_space<vmem>> -> memref<1x128xi32, #tpu.memory_space<vmem>>
      %dma_wait3A_401 = tpu.memref_squeeze %dma_wait3A_400 : memref<1x128xi32, #tpu.memory_space<vmem>> -> memref<128xi32, #tpu.memory_space<vmem>>
      %dma_wait3A_402 = arith.constant 0 : i32
      %dma_wait3A_403 = arith.constant 0 : i32
      %dma_wait3A_404 = tpu.memref_slice %arg2[%dma_wait3A_402, %dma_wait3A_403] : memref<100000x64xbf16, #tpu.memory_space<hbm>> -> memref<100000x64xbf16, #tpu.memory_space<hbm>>
      tpu.wait_indirect_dma semaphore(%arg18 : memref<!tpu.dma_semaphore, #tpu.memory_space<semaphore_mem>>) src(%dma_wait3A_404 : memref<100000x64xbf16, #tpu.memory_space<hbm>>) dst(%dma_wait3A_398 : memref<128x64xbf16, #tpu.memory_space<vmem>>)
      %add3A_405 = arith.constant 3 : i32
      %add3A_406 = arith.addi %mul3A_155, %add3A_405 : i32
      %run_scoped3A_407 = arith.constant 3 : i32
      "tpu.region"() ({
        %run_scoped3A_409 = tpu.sem_alloc : memref<!tpu.dma_semaphore, #tpu.memory_space<semaphore_mem>>
        %dma_start3A_410 = arith.constant 0 : i32
        %dma_start3A_411 = arith.constant 0 : i32
        %dma_start3A_412 = tpu.memref_slice %arg8[%run_scoped3A_407, %dma_start3A_410, %dma_start3A_411] : memref<4x128x64xbf16, #tpu.memory_space<vmem>> -> memref<1x128x64xbf16, #tpu.memory_space<vmem>>
        %dma_start3A_413 = tpu.memref_squeeze %dma_start3A_412 : memref<1x128x64xbf16, #tpu.memory_space<vmem>> -> memref<128x64xbf16, #tpu.memory_space<vmem>>
        %dma_start3A_414 = arith.constant 0 : i32
        %dma_start3A_415 = tpu.memref_slice %arg7[%add3A_406, %dma_start3A_414] : memref<8x128xi32, #tpu.memory_space<vmem>> -> memref<1x128xi32, #tpu.memory_space<vmem>>
        %dma_start3A_416 = tpu.memref_squeeze %dma_start3A_415 : memref<1x128xi32, #tpu.memory_space<vmem>> -> memref<128xi32, #tpu.memory_space<vmem>>
        %dma_start3A_417 = arith.constant 0 : i32
        %dma_start3A_418 = arith.constant 0 : i32
        %dma_start3A_419 = tpu.memref_slice %arg10[%dma_start3A_417, %dma_start3A_418] : memref<50176x64xbf16, #tpu.memory_space<vmem_shared>> -> memref<50176x64xbf16, #tpu.memory_space<vmem_shared>>
        tpu.enqueue_indirect_dma source(%dma_start3A_413 : memref<128x64xbf16, #tpu.memory_space<vmem>>) target(%dma_start3A_419 : memref<50176x64xbf16, #tpu.memory_space<vmem_shared>>) offsets(%dma_start3A_416 : memref<128xi32, #tpu.memory_space<vmem>>) semaphore(%run_scoped3A_409 : memref<!tpu.dma_semaphore, #tpu.memory_space<semaphore_mem>>) {add = true}
        %dma_wait3A_420 = arith.constant 0 : i32
        %dma_wait3A_421 = arith.constant 0 : i32
        %dma_wait3A_422 = tpu.memref_slice %arg8[%run_scoped3A_407, %dma_wait3A_420, %dma_wait3A_421] : memref<4x128x64xbf16, #tpu.memory_space<vmem>> -> memref<1x128x64xbf16, #tpu.memory_space<vmem>>
        %dma_wait3A_423 = tpu.memref_squeeze %dma_wait3A_422 : memref<1x128x64xbf16, #tpu.memory_space<vmem>> -> memref<128x64xbf16, #tpu.memory_space<vmem>>
        %dma_wait3A_424 = arith.constant 0 : i32
        %dma_wait3A_425 = tpu.memref_slice %arg7[%add3A_406, %dma_wait3A_424] : memref<8x128xi32, #tpu.memory_space<vmem>> -> memref<1x128xi32, #tpu.memory_space<vmem>>
        %dma_wait3A_426 = tpu.memref_squeeze %dma_wait3A_425 : memref<1x128xi32, #tpu.memory_space<vmem>> -> memref<128xi32, #tpu.memory_space<vmem>>
        %dma_wait3A_427 = arith.constant 0 : i32
        %dma_wait3A_428 = arith.constant 0 : i32
        %dma_wait3A_429 = tpu.memref_slice %arg10[%dma_wait3A_427, %dma_wait3A_428] : memref<50176x64xbf16, #tpu.memory_space<vmem_shared>> -> memref<50176x64xbf16, #tpu.memory_space<vmem_shared>>
        tpu.wait_indirect_dma semaphore(%run_scoped3A_409 : memref<!tpu.dma_semaphore, #tpu.memory_space<semaphore_mem>>) src(%dma_wait3A_423 : memref<128x64xbf16, #tpu.memory_space<vmem>>) dst(%dma_wait3A_429 : memref<50176x64xbf16, #tpu.memory_space<vmem_shared>>)
        tpu.yield
      }) : () -> ()
      %scan3A_408 = arith.constant 0 : i32
      scf.yield %scan3A_408 : i32
    }
    %scan3A_141 = arith.constant 37 : i32
    %barrier3A_142 = arith.constant 0 : index
    tpu.barrier barrier_id(%barrier3A_142)
    "tpu.region"() ({
      %run_scoped3A = tpu.sem_alloc : memref<!tpu.dma_semaphore, #tpu.memory_space<semaphore_mem>>
      %dma_start3A_143 = arith.constant 0 : i32
      %dma_start3A_144 = tpu.memref_slice %arg5[%arg0, %mul3A_0, %dma_start3A_143] : memref<2x50176x64xbf16, #tpu.memory_space<hbm>> -> memref<1x3136x64xbf16, #tpu.memory_space<hbm>>
      %dma_start3A_145 = tpu.memref_squeeze %dma_start3A_144 : memref<1x3136x64xbf16, #tpu.memory_space<hbm>> -> memref<3136x64xbf16, #tpu.memory_space<hbm>>
      %dma_start3A_146 = arith.constant 0 : i32
      %dma_start3A_147 = tpu.memref_slice %arg10[%mul3A_0, %dma_start3A_146] : memref<50176x64xbf16, #tpu.memory_space<vmem_shared>> -> memref<3136x64xbf16, #tpu.memory_space<vmem_shared>>
      tpu.enqueue_dma source(%dma_start3A_147 : memref<3136x64xbf16, #tpu.memory_space<vmem_shared>>) target(%dma_start3A_145 : memref<3136x64xbf16, #tpu.memory_space<hbm>>) target_semaphore(%run_scoped3A : memref<!tpu.dma_semaphore, #tpu.memory_space<semaphore_mem>>)
      %dma_wait3A = arith.constant 0 : i32
      %dma_wait3A_148 = tpu.memref_slice %arg5[%arg0, %mul3A_0, %dma_wait3A] : memref<2x50176x64xbf16, #tpu.memory_space<hbm>> -> memref<1x3136x64xbf16, #tpu.memory_space<hbm>>
      %dma_wait3A_149 = tpu.memref_squeeze %dma_wait3A_148 : memref<1x3136x64xbf16, #tpu.memory_space<hbm>> -> memref<3136x64xbf16, #tpu.memory_space<hbm>>
      %dma_wait3A_150 = arith.constant 0 : i32
      %dma_wait3A_151 = tpu.memref_slice %arg10[%mul3A_0, %dma_wait3A_150] : memref<50176x64xbf16, #tpu.memory_space<vmem_shared>> -> memref<3136x64xbf16, #tpu.memory_space<vmem_shared>>
      tpu.wait_dma2 semaphore(%run_scoped3A : memref<!tpu.dma_semaphore, #tpu.memory_space<semaphore_mem>>) src(%dma_wait3A_151 : memref<3136x64xbf16, #tpu.memory_space<vmem_shared>>) dst(%dma_wait3A_149 : memref<3136x64xbf16, #tpu.memory_space<hbm>>)
      tpu.yield
    }) : () -> ()
    return
  }
}

module attributes {stable_mosaic.version = 14 : i64} {
  func.func @_tc_body(%arg0: i32, %arg1: memref<1024x128xf32, #tpu.memory_space<vmem>>, %arg2: memref<2x1024x64xbf16, #tpu.memory_space<vmem>>, %arg3: memref<2x1024x16xf32, #tpu.memory_space<vmem>>, %arg4: memref<128x128xf32, #tpu.memory_space<vmem>>, %arg5: memref<1x128xf32, #tpu.memory_space<vmem>>, %arg6: memref<128x128xf32, #tpu.memory_space<vmem>>, %arg7: memref<1x128xf32, #tpu.memory_space<vmem>>, %arg8: memref<128x128xf32, #tpu.memory_space<vmem>>, %arg9: memref<1x128xf32, #tpu.memory_space<vmem>>, %arg10: memref<128x128xf32, #tpu.memory_space<vmem>>, %arg11: memref<1x128xf32, #tpu.memory_space<vmem>>, %arg12: memref<1x128xf32, #tpu.memory_space<vmem>>, %arg13: memref<1x1xf32, #tpu.memory_space<vmem>>, %arg14: memref<1x128xf32, #tpu.memory_space<vmem>>, %arg15: memref<1x1xf32, #tpu.memory_space<vmem>>, %arg16: memref<128x16xf32, #tpu.memory_space<vmem>>, %arg17: memref<1x16xf32, #tpu.memory_space<vmem>>, %arg18: memref<1024x16xf32, #tpu.memory_space<vmem>>) attributes {dimension_semantics = [#tpu.dimension_semantics<arbitrary>], iteration_bounds = array<i64: 49>, scalar_prefetch = 0 : i64, scratch_operands = 0 : i64, tpu.core_type = #tpu.core_type<tc>, window_params = [{transform_indices = @transform_0, window_bounds = array<i64: 1024, 128>}, {transform_indices = @transform_1, window_bounds = array<i64: 2, 1024, 64>}, {transform_indices = @transform_2, window_bounds = array<i64: 2, 1024, 16>}, {pipeline_mode = #tpu.pipeline_mode<synchronous>, transform_indices = @transform_3, window_bounds = array<i64: 128, 128>}, {pipeline_mode = #tpu.pipeline_mode<synchronous>, transform_indices = @transform_4, window_bounds = array<i64: 1, 128>}, {pipeline_mode = #tpu.pipeline_mode<synchronous>, transform_indices = @transform_5, window_bounds = array<i64: 128, 128>}, {pipeline_mode = #tpu.pipeline_mode<synchronous>, transform_indices = @transform_6, window_bounds = array<i64: 1, 128>}, {pipeline_mode = #tpu.pipeline_mode<synchronous>, transform_indices = @transform_7, window_bounds = array<i64: 128, 128>}, {pipeline_mode = #tpu.pipeline_mode<synchronous>, transform_indices = @transform_8, window_bounds = array<i64: 1, 128>}, {pipeline_mode = #tpu.pipeline_mode<synchronous>, transform_indices = @transform_9, window_bounds = array<i64: 128, 128>}, {pipeline_mode = #tpu.pipeline_mode<synchronous>, transform_indices = @transform_10, window_bounds = array<i64: 1, 128>}, {pipeline_mode = #tpu.pipeline_mode<synchronous>, transform_indices = @transform_11, window_bounds = array<i64: 1, 128>}, {pipeline_mode = #tpu.pipeline_mode<synchronous>, transform_indices = @transform_12, window_bounds = array<i64: 1, 1>}, {pipeline_mode = #tpu.pipeline_mode<synchronous>, transform_indices = @transform_13, window_bounds = array<i64: 1, 128>}, {pipeline_mode = #tpu.pipeline_mode<synchronous>, transform_indices = @transform_14, window_bounds = array<i64: 1, 1>}, {pipeline_mode = #tpu.pipeline_mode<synchronous>, transform_indices = @transform_15, window_bounds = array<i64: 128, 16>}, {pipeline_mode = #tpu.pipeline_mode<synchronous>, transform_indices = @transform_16, window_bounds = array<i64: 1, 16>}, {transform_indices = @transform_17, window_bounds = array<i64: 1024, 16>}]} {
    %get3A = arith.constant 0 : index
    %get3A_0 = arith.constant 0 : index
    %get3A_1 = vector.load %arg1[%get3A, %get3A_0] : memref<1024x128xf32, #tpu.memory_space<vmem>>, vector<1024x128xf32>
    %get3A_2 = arith.constant 0 : index
    %get3A_3 = arith.constant 0 : index
    %get3A_4 = vector.load %arg4[%get3A_2, %get3A_3] : memref<128x128xf32, #tpu.memory_space<vmem>>, vector<128x128xf32>
    %dot_general3A = arith.constant dense<0.000000e+00> : vector<1024x128xf32>
    %dot_general3A_5 = tpu.matmul %get3A_1, %get3A_4, %dot_general3A {dimension_numbers = #tpu.dot_dimension_numbers<[1], [0], [0], [1], [0, 0, 1, 1], [], []>, transpose_lhs_hint = false} : vector<1024x128xf32>, vector<128x128xf32>, vector<1024x128xf32> -> vector<1024x128xf32>
    %get3A_6 = arith.constant 0 : index
    %get3A_7 = arith.constant 0 : index
    %get3A_8 = vector.load %arg5[%get3A_6, %get3A_7] : memref<1x128xf32, #tpu.memory_space<vmem>>, vector<1x128xf32>
    %add3A = vector.broadcast %get3A_8 : vector<1x128xf32> to vector<1024x128xf32>
    %add3A_9 = arith.addf %dot_general3A_5, %add3A : vector<1024x128xf32>
    %get3A_10 = arith.constant 0 : index
    %get3A_11 = arith.constant 0 : index
    %get3A_12 = vector.load %arg6[%get3A_10, %get3A_11] : memref<128x128xf32, #tpu.memory_space<vmem>>, vector<128x128xf32>
    %get3A_13 = arith.constant 0 : index
    %get3A_14 = arith.constant 0 : index
    %get3A_15 = arith.constant 0 : index
    %get3A_16 = vector.load %arg2[%get3A_13, %get3A_14, %get3A_15] : memref<2x1024x64xbf16, #tpu.memory_space<vmem>>, vector<2x1024x64xbf16>
    %convert_element_type3A = arith.extf %get3A_16 : vector<2x1024x64xbf16> to vector<2x1024x64xf32>
    %slice3A = vector.extract_strided_slice %convert_element_type3A {offsets = [0, 0, 0], sizes = [1, 1024, 64], strides = [1, 1, 1]} : vector<2x1024x64xf32> to vector<1x1024x64xf32>
    %squeeze3A = vector.shape_cast %slice3A : vector<1x1024x64xf32> to vector<1024x64xf32>
    %slice3A_17 = vector.extract_strided_slice %get3A_12 {offsets = [0, 0], sizes = [64, 128], strides = [1, 1]} : vector<128x128xf32> to vector<64x128xf32>
    %dot_general3A_18 = arith.constant dense<0.000000e+00> : vector<1024x128xf32>
    %dot_general3A_19 = tpu.matmul %squeeze3A, %slice3A_17, %dot_general3A_18 {dimension_numbers = #tpu.dot_dimension_numbers<[1], [0], [0], [1], [0, 0, 1, 1], [], []>, transpose_lhs_hint = false} : vector<1024x64xf32>, vector<64x128xf32>, vector<1024x128xf32> -> vector<1024x128xf32>
    %slice3A_20 = vector.extract_strided_slice %convert_element_type3A {offsets = [1, 0, 0], sizes = [1, 1024, 64], strides = [1, 1, 1]} : vector<2x1024x64xf32> to vector<1x1024x64xf32>
    %squeeze3A_21 = vector.shape_cast %slice3A_20 : vector<1x1024x64xf32> to vector<1024x64xf32>
    %slice3A_22 = vector.extract_strided_slice %get3A_12 {offsets = [64, 0], sizes = [64, 128], strides = [1, 1]} : vector<128x128xf32> to vector<64x128xf32>
    %dot_general3A_23 = arith.constant dense<0.000000e+00> : vector<1024x128xf32>
    %dot_general3A_24 = tpu.matmul %squeeze3A_21, %slice3A_22, %dot_general3A_23 {dimension_numbers = #tpu.dot_dimension_numbers<[1], [0], [0], [1], [0, 0, 1, 1], [], []>, transpose_lhs_hint = false} : vector<1024x64xf32>, vector<64x128xf32>, vector<1024x128xf32> -> vector<1024x128xf32>
    %add3A_25 = arith.addf %dot_general3A_19, %dot_general3A_24 : vector<1024x128xf32>
    %get3A_26 = arith.constant 0 : index
    %get3A_27 = arith.constant 0 : index
    %get3A_28 = arith.constant 0 : index
    %get3A_29 = vector.load %arg3[%get3A_26, %get3A_27, %get3A_28] : memref<2x1024x16xf32, #tpu.memory_space<vmem>>, vector<1x1024x16xf32>
    %get3A_30 = vector.shape_cast %get3A_29 : vector<1x1024x16xf32> to vector<1024x16xf32>
    %get3A_31 = arith.constant 1 : index
    %get3A_32 = arith.constant 0 : index
    %get3A_33 = arith.constant 0 : index
    %get3A_34 = vector.load %arg3[%get3A_31, %get3A_32, %get3A_33] : memref<2x1024x16xf32, #tpu.memory_space<vmem>>, vector<1x1024x16xf32>
    %get3A_35 = vector.shape_cast %get3A_34 : vector<1x1024x16xf32> to vector<1024x16xf32>
    %add3A_36 = arith.addf %get3A_30, %get3A_35 : vector<1024x16xf32>
    %reduce_sum3A = arith.constant dense<0.000000e+00> : vector<1024xf32>
    %reduce_sum3A_37 = vector.multi_reduction <add>, %add3A_36, %reduce_sum3A [1] : vector<1024x16xf32> to vector<1024xf32>
    %broadcast_in_dim3A = vector.shape_cast %reduce_sum3A_37 : vector<1024xf32> to vector<1024x1xf32>
    %mul3A = arith.constant 6.250000e-02 : f32
    %mul3A_38 = vector.broadcast %mul3A : f32 to vector<1024x1xf32>
    %mul3A_39 = arith.mulf %broadcast_in_dim3A, %mul3A_38 : vector<1024x1xf32>
    %max3A = arith.constant 1.000000e+00 : f32
    %max3A_40 = vector.broadcast %max3A : f32 to vector<1024x1xf32>
    %max3A_41 = arith.maximumf %mul3A_39, %max3A_40 : vector<1024x1xf32>
    %div3A = arith.constant 1.000000e+00 : f32
    %div3A_42 = vector.broadcast %div3A : f32 to vector<1024x1xf32>
    %div3A_43 = arith.divf %div3A_42, %max3A_41 : vector<1024x1xf32>
    %mul3A_44 = vector.broadcast %div3A_43 : vector<1024x1xf32> to vector<1024x128xf32>
    %mul3A_45 = arith.mulf %add3A_25, %mul3A_44 : vector<1024x128xf32>
    %get3A_46 = arith.constant 0 : index
    %get3A_47 = arith.constant 0 : index
    %get3A_48 = vector.load %arg7[%get3A_46, %get3A_47] : memref<1x128xf32, #tpu.memory_space<vmem>>, vector<1x128xf32>
    %add3A_49 = vector.broadcast %get3A_48 : vector<1x128xf32> to vector<1024x128xf32>
    %add3A_50 = arith.addf %mul3A_45, %add3A_49 : vector<1024x128xf32>
    %get3A_51 = arith.constant 0 : index
    %get3A_52 = arith.constant 0 : index
    %get3A_53 = vector.load %arg12[%get3A_51, %get3A_52] : memref<1x128xf32, #tpu.memory_space<vmem>>, vector<1x128xf32>
    %get3A_54 = arith.constant 0 : index
    %get3A_55 = arith.constant 0 : index
    %get3A_56 = vector.load %arg14[%get3A_54, %get3A_55] : memref<1x128xf32, #tpu.memory_space<vmem>>, vector<1x128xf32>
    %get3A_57 = arith.constant 0 : index
    %get3A_58 = arith.constant 0 : index
    %get3A_59 = vector.load %arg10[%get3A_57, %get3A_58] : memref<128x128xf32, #tpu.memory_space<vmem>>, vector<128x128xf32>
    %mul3A_60 = vector.broadcast %get3A_53 : vector<1x128xf32> to vector<128x128xf32>
    %mul3A_61 = arith.mulf %get3A_59, %mul3A_60 : vector<128x128xf32>
    %reduce_sum3A_62 = arith.constant dense<0.000000e+00> : vector<128xf32>
    %reduce_sum3A_63 = vector.multi_reduction <add>, %mul3A_61, %reduce_sum3A_62 [1] : vector<128x128xf32> to vector<128xf32>
    %get3A_64 = arith.constant 0 : index
    %get3A_65 = arith.constant 0 : index
    %get3A_66 = vector.load %arg8[%get3A_64, %get3A_65] : memref<128x128xf32, #tpu.memory_space<vmem>>, vector<128x128xf32>
    %mul3A_67 = vector.broadcast %get3A_56 : vector<1x128xf32> to vector<128x128xf32>
    %mul3A_68 = arith.mulf %get3A_66, %mul3A_67 : vector<128x128xf32>
    %reduce_sum3A_69 = arith.constant dense<0.000000e+00> : vector<128xf32>
    %reduce_sum3A_70 = vector.multi_reduction <add>, %mul3A_68, %reduce_sum3A_69 [1] : vector<128x128xf32> to vector<128xf32>
    %get3A_71 = arith.constant 0 : index
    %get3A_72 = arith.constant 0 : index
    %get3A_73 = vector.load %arg11[%get3A_71, %get3A_72] : memref<1x128xf32, #tpu.memory_space<vmem>>, vector<1x128xf32>
    %mul3A_74 = arith.mulf %get3A_73, %get3A_53 : vector<1x128xf32>
    %reduce_sum3A_75 = arith.constant dense<0.000000e+00> : vector<1xf32>
    %reduce_sum3A_76 = vector.multi_reduction <add>, %mul3A_74, %reduce_sum3A_75 [1] : vector<1x128xf32> to vector<1xf32>
    %broadcast_in_dim3A_77 = vector.shape_cast %reduce_sum3A_76 : vector<1xf32> to vector<1x1xf32>
    %get3A_78 = arith.constant 0 : index
    %get3A_79 = arith.constant 0 : index
    %get3A_80 = vector.load %arg13[%get3A_78, %get3A_79] : memref<1x1xf32, #tpu.memory_space<vmem>>, vector<1x1xf32>
    %add3A_81 = arith.addf %broadcast_in_dim3A_77, %get3A_80 : vector<1x1xf32>
    %get3A_82 = arith.constant 0 : index
    %get3A_83 = arith.constant 0 : index
    %get3A_84 = vector.load %arg9[%get3A_82, %get3A_83] : memref<1x128xf32, #tpu.memory_space<vmem>>, vector<1x128xf32>
    %mul3A_85 = arith.mulf %get3A_84, %get3A_56 : vector<1x128xf32>
    %reduce_sum3A_86 = arith.constant dense<0.000000e+00> : vector<1xf32>
    %reduce_sum3A_87 = vector.multi_reduction <add>, %mul3A_85, %reduce_sum3A_86 [1] : vector<1x128xf32> to vector<1xf32>
    %broadcast_in_dim3A_88 = vector.shape_cast %reduce_sum3A_87 : vector<1xf32> to vector<1x1xf32>
    %get3A_89 = arith.constant 0 : index
    %get3A_90 = arith.constant 0 : index
    %get3A_91 = vector.load %arg15[%get3A_89, %get3A_90] : memref<1x1xf32, #tpu.memory_space<vmem>>, vector<1x1xf32>
    %add3A_92 = arith.addf %broadcast_in_dim3A_88, %get3A_91 : vector<1x1xf32>
    %iota3A = tpu.iota {dimensions = array<i32: 1>} : vector<128x128xi32>
    %eq3A = arith.constant 0 : i32
    %eq3A_93 = vector.broadcast %eq3A : i32 to vector<128x128xi32>
    %eq3A_94 = arith.cmpi eq, %iota3A, %eq3A_93 : vector<128x128xi32>
    %broadcast_in_dim3A_95 = vector.shape_cast %reduce_sum3A_63 : vector<128xf32> to vector<128x1xf32>
    %jit3A = arith.constant 0.000000e+00 : f32
    %broadcast_in_dim3A_96 = vector.shape_cast %broadcast_in_dim3A_95 : vector<128x1xf32> to vector<128x1xf32>
    %broadcast_in_dim3A_97 = vector.broadcast %broadcast_in_dim3A_96 : vector<128x1xf32> to vector<128x128xf32>
    %broadcast_in_dim3A_98 = vector.broadcast %jit3A : f32 to vector<128x128xf32>
    %select_n3A = arith.select %eq3A_94, %broadcast_in_dim3A_97, %broadcast_in_dim3A_98 : vector<128x128xi1>, vector<128x128xf32>
    %eq3A_99 = arith.constant 1 : i32
    %eq3A_100 = vector.broadcast %eq3A_99 : i32 to vector<128x128xi32>
    %eq3A_101 = arith.cmpi eq, %iota3A, %eq3A_100 : vector<128x128xi32>
    %broadcast_in_dim3A_102 = vector.shape_cast %reduce_sum3A_70 : vector<128xf32> to vector<128x1xf32>
    %jit3A_103 = arith.constant 0.000000e+00 : f32
    %broadcast_in_dim3A_104 = vector.shape_cast %broadcast_in_dim3A_102 : vector<128x1xf32> to vector<128x1xf32>
    %broadcast_in_dim3A_105 = vector.broadcast %broadcast_in_dim3A_104 : vector<128x1xf32> to vector<128x128xf32>
    %broadcast_in_dim3A_106 = vector.broadcast %jit3A_103 : f32 to vector<128x128xf32>
    %select_n3A_107 = arith.select %eq3A_101, %broadcast_in_dim3A_105, %broadcast_in_dim3A_106 : vector<128x128xi1>, vector<128x128xf32>
    %add3A_108 = arith.addf %select_n3A, %select_n3A_107 : vector<128x128xf32>
    %dot_general3A_109 = arith.constant dense<0.000000e+00> : vector<1024x128xf32>
    %dot_general3A_110 = tpu.matmul %add3A_9, %add3A_108, %dot_general3A_109 {dimension_numbers = #tpu.dot_dimension_numbers<[1], [0], [0], [1], [0, 0, 1, 1], [], []>, transpose_lhs_hint = false} : vector<1024x128xf32>, vector<128x128xf32>, vector<1024x128xf32> -> vector<1024x128xf32>
    %dot_general3A_111 = arith.constant dense<0.000000e+00> : vector<1024x128xf32>
    %dot_general3A_112 = tpu.matmul %add3A_50, %add3A_108, %dot_general3A_111 {dimension_numbers = #tpu.dot_dimension_numbers<[1], [0], [0], [1], [0, 0, 1, 1], [], []>, transpose_lhs_hint = false} : vector<1024x128xf32>, vector<128x128xf32>, vector<1024x128xf32> -> vector<1024x128xf32>
    %slice3A_113 = vector.extract_strided_slice %dot_general3A_110 {offsets = [0, 0], sizes = [1024, 1], strides = [1, 1]} : vector<1024x128xf32> to vector<1024x1xf32>
    %add3A_114 = vector.broadcast %add3A_81 : vector<1x1xf32> to vector<1024x1xf32>
    %add3A_115 = arith.addf %slice3A_113, %add3A_114 : vector<1024x1xf32>
    %slice3A_116 = vector.extract_strided_slice %dot_general3A_110 {offsets = [0, 1], sizes = [1024, 1], strides = [1, 1]} : vector<1024x128xf32> to vector<1024x1xf32>
    %add3A_117 = vector.broadcast %add3A_92 : vector<1x1xf32> to vector<1024x1xf32>
    %add3A_118 = arith.addf %slice3A_116, %add3A_117 : vector<1024x1xf32>
    %slice3A_119 = vector.extract_strided_slice %dot_general3A_112 {offsets = [0, 0], sizes = [1024, 1], strides = [1, 1]} : vector<1024x128xf32> to vector<1024x1xf32>
    %add3A_120 = vector.broadcast %add3A_81 : vector<1x1xf32> to vector<1024x1xf32>
    %add3A_121 = arith.addf %slice3A_119, %add3A_120 : vector<1024x1xf32>
    %add3A_122 = arith.addf %add3A_115, %add3A_118 : vector<1024x1xf32>
    %gt3A = arith.constant 0.000000e+00 : f32
    %gt3A_123 = vector.broadcast %gt3A : f32 to vector<1024x1xf32>
    %gt3A_124 = arith.cmpf ogt, %add3A_122, %gt3A_123 : vector<1024x1xf32>
    %exp3A = math.exp %add3A_122 : vector<1024x1xf32>
    %sub3A = arith.constant 1.000000e+00 : f32
    %sub3A_125 = vector.broadcast %sub3A : f32 to vector<1024x1xf32>
    %sub3A_126 = arith.subf %exp3A, %sub3A_125 : vector<1024x1xf32>
    %select_n3A_127 = arith.select %gt3A_124, %add3A_122, %sub3A_126 : vector<1024x1xi1>, vector<1024x1xf32>
    %add3A_128 = arith.addf %add3A_121, %add3A_118 : vector<1024x1xf32>
    %gt3A_129 = arith.constant 0.000000e+00 : f32
    %gt3A_130 = vector.broadcast %gt3A_129 : f32 to vector<1024x1xf32>
    %gt3A_131 = arith.cmpf ogt, %add3A_128, %gt3A_130 : vector<1024x1xf32>
    %exp3A_132 = math.exp %add3A_128 : vector<1024x1xf32>
    %sub3A_133 = arith.constant 1.000000e+00 : f32
    %sub3A_134 = vector.broadcast %sub3A_133 : f32 to vector<1024x1xf32>
    %sub3A_135 = arith.subf %exp3A_132, %sub3A_134 : vector<1024x1xf32>
    %select_n3A_136 = arith.select %gt3A_131, %add3A_128, %sub3A_135 : vector<1024x1xi1>, vector<1024x1xf32>
    %max3A_137 = arith.maximumf %select_n3A_127, %select_n3A_136 : vector<1024x1xf32>
    %sub3A_138 = arith.subf %select_n3A_127, %max3A_137 : vector<1024x1xf32>
    %exp3A_139 = math.exp %sub3A_138 : vector<1024x1xf32>
    %sub3A_140 = arith.subf %select_n3A_136, %max3A_137 : vector<1024x1xf32>
    %exp3A_141 = math.exp %sub3A_140 : vector<1024x1xf32>
    %add3A_142 = arith.addf %exp3A_139, %exp3A_141 : vector<1024x1xf32>
    %div3A_143 = arith.constant 1.000000e+00 : f32
    %div3A_144 = vector.broadcast %div3A_143 : f32 to vector<1024x1xf32>
    %div3A_145 = arith.divf %div3A_144, %add3A_142 : vector<1024x1xf32>
    %mul3A_146 = arith.mulf %exp3A_139, %div3A_145 : vector<1024x1xf32>
    %mul3A_147 = vector.broadcast %mul3A_146 : vector<1024x1xf32> to vector<1024x128xf32>
    %mul3A_148 = arith.mulf %add3A_9, %mul3A_147 : vector<1024x128xf32>
    %mul3A_149 = arith.mulf %exp3A_141, %div3A_145 : vector<1024x1xf32>
    %mul3A_150 = vector.broadcast %mul3A_149 : vector<1024x1xf32> to vector<1024x128xf32>
    %mul3A_151 = arith.mulf %add3A_50, %mul3A_150 : vector<1024x128xf32>
    %add3A_152 = arith.addf %mul3A_148, %mul3A_151 : vector<1024x128xf32>
    %get3A_153 = arith.constant 0 : index
    %get3A_154 = arith.constant 0 : index
    %get3A_155 = vector.load %arg16[%get3A_153, %get3A_154] : memref<128x16xf32, #tpu.memory_space<vmem>>, vector<128x16xf32>
    %dot_general3A_156 = arith.constant dense<0.000000e+00> : vector<1024x16xf32>
    %dot_general3A_157 = tpu.matmul %add3A_152, %get3A_155, %dot_general3A_156 {dimension_numbers = #tpu.dot_dimension_numbers<[1], [0], [0], [1], [0, 0, 1, 1], [], []>, transpose_lhs_hint = false} : vector<1024x128xf32>, vector<128x16xf32>, vector<1024x16xf32> -> vector<1024x16xf32>
    %get3A_158 = arith.constant 0 : index
    %get3A_159 = arith.constant 0 : index
    %get3A_160 = vector.load %arg17[%get3A_158, %get3A_159] : memref<1x16xf32, #tpu.memory_space<vmem>>, vector<1x16xf32>
    %add3A_161 = vector.broadcast %get3A_160 : vector<1x16xf32> to vector<1024x16xf32>
    %add3A_162 = arith.addf %dot_general3A_157, %add3A_161 : vector<1024x16xf32>
    %swap3A = arith.constant 0 : index
    %swap3A_163 = arith.constant 0 : index
    %swap3A_164 = vector.load %arg18[%swap3A, %swap3A_163] : memref<1024x16xf32, #tpu.memory_space<vmem>>, vector<1024x16xf32>
    tpu.vector_store %arg18[%swap3A, %swap3A_163], %add3A_162 {strides = array<i32>} : memref<1024x16xf32, #tpu.memory_space<vmem>>, vector<1024x16xf32>,
    return
  }
  func.func @transform_0(%arg0: i32) -> (i32, i32) {
    %c0_i32 = arith.constant 0 : i32
    %c0_i32_0 = arith.constant 0 : i32
    return %arg0, %c0_i32 : i32, i32
  }
  func.func @transform_1(%arg0: i32) -> (i32, i32, i32) {
    %c0_i32 = arith.constant 0 : i32
    %c0_i32_0 = arith.constant 0 : i32
    %c0_i32_1 = arith.constant 0 : i32
    return %c0_i32, %arg0, %c0_i32_0 : i32, i32, i32
  }
  func.func @transform_2(%arg0: i32) -> (i32, i32, i32) {
    %c0_i32 = arith.constant 0 : i32
    %c0_i32_0 = arith.constant 0 : i32
    %c0_i32_1 = arith.constant 0 : i32
    return %c0_i32, %arg0, %c0_i32_0 : i32, i32, i32
  }
  func.func @transform_3(%arg0: i32) -> (i32, i32) {
    %c0_i32 = arith.constant 0 : i32
    %c0_i32_0 = arith.constant 0 : i32
    %c0_i32_1 = arith.constant 0 : i32
    return %c0_i32, %c0_i32_0 : i32, i32
  }
  func.func @transform_4(%arg0: i32) -> (i32, i32) {
    %c0_i32 = arith.constant 0 : i32
    %c0_i32_0 = arith.constant 0 : i32
    %c0_i32_1 = arith.constant 0 : i32
    return %c0_i32, %c0_i32_0 : i32, i32
  }
  func.func @transform_5(%arg0: i32) -> (i32, i32) {
    %c0_i32 = arith.constant 0 : i32
    %c0_i32_0 = arith.constant 0 : i32
    %c0_i32_1 = arith.constant 0 : i32
    return %c0_i32, %c0_i32_0 : i32, i32
  }
  func.func @transform_6(%arg0: i32) -> (i32, i32) {
    %c0_i32 = arith.constant 0 : i32
    %c0_i32_0 = arith.constant 0 : i32
    %c0_i32_1 = arith.constant 0 : i32
    return %c0_i32, %c0_i32_0 : i32, i32
  }
  func.func @transform_7(%arg0: i32) -> (i32, i32) {
    %c0_i32 = arith.constant 0 : i32
    %c0_i32_0 = arith.constant 0 : i32
    %c0_i32_1 = arith.constant 0 : i32
    return %c0_i32, %c0_i32_0 : i32, i32
  }
  func.func @transform_8(%arg0: i32) -> (i32, i32) {
    %c0_i32 = arith.constant 0 : i32
    %c0_i32_0 = arith.constant 0 : i32
    %c0_i32_1 = arith.constant 0 : i32
    return %c0_i32, %c0_i32_0 : i32, i32
  }
  func.func @transform_9(%arg0: i32) -> (i32, i32) {
    %c0_i32 = arith.constant 0 : i32
    %c0_i32_0 = arith.constant 0 : i32
    %c0_i32_1 = arith.constant 0 : i32
    return %c0_i32, %c0_i32_0 : i32, i32
  }
  func.func @transform_10(%arg0: i32) -> (i32, i32) {
    %c0_i32 = arith.constant 0 : i32
    %c0_i32_0 = arith.constant 0 : i32
    %c0_i32_1 = arith.constant 0 : i32
    return %c0_i32, %c0_i32_0 : i32, i32
  }
  func.func @transform_11(%arg0: i32) -> (i32, i32) {
    %c0_i32 = arith.constant 0 : i32
    %c0_i32_0 = arith.constant 0 : i32
    %c0_i32_1 = arith.constant 0 : i32
    return %c0_i32, %c0_i32_0 : i32, i32
  }
  func.func @transform_12(%arg0: i32) -> (i32, i32) {
    %c0_i32 = arith.constant 0 : i32
    %c0_i32_0 = arith.constant 0 : i32
    %c0_i32_1 = arith.constant 0 : i32
    return %c0_i32, %c0_i32_0 : i32, i32
  }
  func.func @transform_13(%arg0: i32) -> (i32, i32) {
    %c0_i32 = arith.constant 0 : i32
    %c0_i32_0 = arith.constant 0 : i32
    %c0_i32_1 = arith.constant 0 : i32
    return %c0_i32, %c0_i32_0 : i32, i32
  }
  func.func @transform_14(%arg0: i32) -> (i32, i32) {
    %c0_i32 = arith.constant 0 : i32
    %c0_i32_0 = arith.constant 0 : i32
    %c0_i32_1 = arith.constant 0 : i32
    return %c0_i32, %c0_i32_0 : i32, i32
  }
  func.func @transform_15(%arg0: i32) -> (i32, i32) {
    %c0_i32 = arith.constant 0 : i32
    %c0_i32_0 = arith.constant 0 : i32
    %c0_i32_1 = arith.constant 0 : i32
    return %c0_i32, %c0_i32_0 : i32, i32
  }
  func.func @transform_16(%arg0: i32) -> (i32, i32) {
    %c0_i32 = arith.constant 0 : i32
    %c0_i32_0 = arith.constant 0 : i32
    %c0_i32_1 = arith.constant 0 : i32
    return %c0_i32, %c0_i32_0 : i32, i32
  }
  func.func @transform_17(%arg0: i32) -> (i32, i32) {
    %c0_i32 = arith.constant 0 : i32
    %c0_i32_0 = arith.constant 0 : i32
    return %arg0, %c0_i32 : i32, i32
  }
}

</mosaic_0001>

<sc_bundles>
// kernel: kernel.5.cloned.1.call-start
scs
__scs_entry_jumppad:
0x0: {  	(pc) =	sbr.rel $0x88, $3  }
0x1: {  	(tag) =	ssettag $0x0;
	lr =	simm.s32 $0x1  }
0x2: {  	[smem:$0x3F90] =	sst lr;
	_ =	strace $0xD0000000  }
0x3: {  	_ = 	snop  }
0x4: {  	_ = 	snop  }
0x5: {  	_ = 	snop  }
0x6: {  	_ = 	snop  }
0x7: {  	_ = 	snop  }
__scs_overlays_trampoline_lowered:
0x8: {  	[smem:$0x3F9F] =	sst s0  }
0x9: {  	[smem:$0x3FA0] =	sst s1  }
0xa: {  	[smem:$0x3FA1] =	sst s2  }
0xb: {  	[smem:$0x3FA2] =	sst s3  }
0xc: {  	[smem:$0x3FA3] =	sst s4  }
0xd: {  	[smem:$0x3FA4] =	sst s5  }
0xe: {  	[smem:$0x3FA5] =	sst s6  }
0xf: {  	[smem:$0x3FA6] =	sst s7  }
0x10: {  	[smem:$0x3FA7] =	sst s8  }
0x11: {  	[smem:$0x3FA8] =	sst s9;
	s0 =	simm.s32 @!p0 $0x0  }
0x12: {  	s1 =	sld [smem:$0x3F8E];
	s0 =	simm.s32 @p0 $0x1  }
0x13: {  	[smem:$0x3FA9] =	sst s0;
	s0 =	simm.s32 @!p1 $0x0  }
0x14: {  	s2 =	sld [smem:$0x3F8D];
	s0 =	simm.s32 @p1 $0x1  }
0x15: {  	[smem:$0x3FAA] =	sst s0;
	s0 =	simm.s32 @!p2 $0x0  }
0x16: {  	s3 =	sld [smem:$0x3FDB];
	s0 =	simm.s32 @p2 $0x1  }
0x17: {  	s4 =	simm.s32 $0x1BF5;
	[smem:$0x3FAC] =	sst s0  }
0x18: {  	s0 =	sld [smem:$0x3F8F];
	_ =	swait.ge [sflag:s4], $0x0  }
0x19: {  	s7 =	sld [smem:$0x3F90]  }
0x1a: {  	s8 =	sadd.s32 $0xFFFFE003, lr  }
0x1b: {  	s9 =	sadd.s32 $0xFFFFFEF7, lr;
	s5 =	simm.s32 $0xFFFFFFFF;
	p2 =	slt.u32 s8, $0xFFFFF086  }
0x1c: {  	p1 =	slt.u32 s9, $0xF7A;
	s5 =	simm.s32 @!p2 $0x0  }
0x1d: {  	s5 =	simm.s32 @p1 $0x1;
	p0 =	seq.s32 s7, s2  }
0x1e: {  	s7 =	smul.u32 @!p0 $0xF7A, s2;
	p2 =	seq.s32 @!p0 s5, $0x0  }
0x1f: {  	s9 =	smul.u32 $0xF7A, s1;
	s8 =	simm.s32 @!p0 $0x1BF5;
	p2 =	por !p2, p0  }
0x20: {  	[sflag:s8] =	ssyncset.s32 @!p0 $0xFFFFF086;
	s6 =	sadd.s32 @!p0 s3, s7;
	s7 =	simm.s32 @!p0 $0x108  }
0x21: {  	s3 =	sadd.s32 s3, s9;
	s6 =	sadd.s32 @!p0 $0x88, s6;
	s7 =	simm.s32 @p2 $0x1082  }
0x22: {  	[simem:s7], [sflag:s8] =	dma.local @!p0 [hbm:s6], $0xF7A  }
0x23: {  	s9 =	sor.u32 $0xD0000000, s2;
	s6 =	simm.s32 $0x108;
	_ =	swait.ge @!p0 [sflag:s8], $0x0  }
0x24: {  	s3 =	sadd.s32 $0x88, s3;
	s6 =	simm.s32 @!p1 $0x1082;
	[sflag:s4] =	ssyncset.s32 $0xFFFFF086  }
0x25: {  	[simem:s6], [sflag:s4] =	dma.local [hbm:s3], $0xF7A  }
0x26: {  	[smem:$0x3F90] =	sst s1;
	(tag) =	ssettag s2;
	_ =	strace s9  }
0x27: {  	s1 =	sld [smem:$0x3FA0]  }
0x28: {  	s2 =	sld [smem:$0x3FA1]  }
0x29: {  	s4 =	sld [smem:$0x3FA3]  }
0x2a: {  	p0 =	seq.s32 s5, $0x0;
	s5 =	sld [smem:$0x3FA4]  }
0x2b: {  	s6 =	sld [smem:$0x3FA5]  }
0x2c: {  	s7 =	sld [smem:$0x3FA6]  }
0x2d: {  	s3 =	simm.s32 $0x108;
	s8 =	sld [smem:$0x3FA7]  }
0x2e: {  	s3 =	simm.s32 @!p0 $0x1082;
	s9 =	sld [smem:$0x3FA8]  }
0x2f: {  	lr =	sadd.s32 s0, s3;
	s0 =	sld [smem:$0x3F9F]  }
0x30: {  	s3 =	sld [smem:$0x3FA2]  }
0x31: {  	[smem:$0x3FAB] =	sst s10  }
0x32: {  	s10 =	sld [smem:$0x3FA9];
	_ =	sdelay $0x3  }
0x33: {  	p0 =	seq.s32 s10, $0x1;
	s10 =	sld [smem:$0x3FAB];
	_ =	sdelay $0x3  }
0x34: {  	[smem:$0x3FAB] =	sst s10  }
0x35: {  	s10 =	sld [smem:$0x3FAA];
	_ =	sdelay $0x3  }
0x36: {  	p1 =	seq.s32 s10, $0x1;
	s10 =	sld [smem:$0x3FAB];
	_ =	sdelay $0x3  }
0x37: {  	[smem:$0x3FAB] =	sst s10  }
0x38: {  	s10 =	sld [smem:$0x3FAC]  }
0x39: {  	_ = 	snop;
	(pc) =	sbr.ind lr, $3  }
0x3a: {  	_ = 	snop  }
0x3b: {  	_ = 	snop  }
0x3c: {  	p2 =	seq.s32 s10, $0x1;
	s10 =	sld [smem:$0x3FAB]  }
0x3d: {  	_ =	shalt  }
0x3e: {  	_ =	shalt  }
0x3f: {  	_ =	shalt  }
0x40: {  	_ =	shalt  }
0x41: {  	_ =	shalt  }
0x42: {  	_ =	shalt  }
0x43: {  	_ =	shalt  }
0x44: {  	_ =	shalt  }
0x45: {  	_ =	shalt  }
0x46: {  	_ =	shalt  }
0x47: {  	_ =	shalt  }
0x48: {  	_ =	shalt  }
0x49: {  	_ =	shalt  }
0x4a: {  	_ =	shalt  }
0x4b: {  	_ =	shalt  }
0x4c: {  	_ =	shalt  }
0x4d: {  	_ =	shalt  }
0x4e: {  	_ =	shalt  }
0x4f: {  	_ =	shalt  }
0x50: {  	_ =	shalt  }
0x51: {  	_ =	shalt  }
0x52: {  	_ =	shalt  }
0x53: {  	_ =	shalt  }
0x54: {  	_ =	shalt  }
0x55: {  	_ =	shalt  }
0x56: {  	_ =	shalt  }
0x57: {  	_ =	shalt  }
0x58: {  	_ =	shalt  }
0x59: {  	_ =	shalt  }
0x5a: {  	_ =	shalt  }
0x5b: {  	_ =	shalt  }
0x5c: {  	_ =	shalt  }
0x5d: {  	_ =	shalt  }
0x5e: {  	_ =	shalt  }
0x5f: {  	_ =	shalt  }
0x60: {  	_ =	shalt  }
0x61: {  	_ =	shalt  }
0x62: {  	_ =	shalt  }
0x63: {  	_ =	shalt  }
0x64: {  	_ =	shalt  }
0x65: {  	_ =	shalt  }
0x66: {  	_ =	shalt  }
0x67: {  	_ =	shalt  }
0x68: {  	_ =	shalt  }
0x69: {  	_ =	shalt  }
0x6a: {  	_ =	shalt  }
0x6b: {  	_ =	shalt  }
0x6c: {  	_ =	shalt  }
0x6d: {  	_ =	shalt  }
0x6e: {  	_ =	shalt  }
0x6f: {  	_ =	shalt  }
0x70: {  	_ =	shalt  }
0x71: {  	_ =	shalt  }
0x72: {  	_ =	shalt  }
0x73: {  	_ =	shalt  }
0x74: {  	_ =	shalt  }
0x75: {  	_ =	shalt  }
0x76: {  	_ =	shalt  }
0x77: {  	_ =	shalt  }
0x78: {  	_ =	shalt  }
0x79: {  	_ =	shalt  }
0x7a: {  	_ =	shalt  }
0x7b: {  	_ =	shalt  }
0x7c: {  	_ =	shalt  }
0x7d: {  	_ =	shalt  }
0x7e: {  	_ =	shalt  }
0x7f: {  	_ =	shalt  }
0x80: {  	_ =	shalt  }
0x81: {  	_ =	shalt  }
0x82: {  	_ =	shalt  }
0x83: {  	_ =	shalt  }
0x84: {  	_ =	shalt  }
0x85: {  	_ =	shalt  }
0x86: {  	_ =	shalt  }
0x87: {  	_ =	shalt  }
.Lfunc_end0:
.L_simem_size_0:
called_computation_lowered:
.L_overlay_start_0:
0x88: {  	s2 =	sld [smem:$0x3FD9]  }
0x89: {  	s3 =	sld [smem:$0x3FFE];
	_ =	sdelay $0x1  }
0x8a: {  	s1 =	srdreg.scid  }
0x8b: {  	s0 =	sand.u32 $0x1, s1  }
0x8c: {  	s17 =	sshll.u32 s0, $0xA;
	s2 =	sadd.s32 s3, s2  }
0x8d: {  	s2 =	sadd.s32 s2, s17  }
0x8e: {  	[smem:$0x3FB7] =	sst s2  }
0x8f: {  	_ = 	snop  }
0x90: {  	s2 =	sld [smem:$0x3FD0];
	(tm) =	ssettm $0x1  }
0x91: {  	s18 =	sld [smem:$0x3FFB];
	_ =	sdelay $0x3  }
0x92: {  	_ =	strace s18  }
0x93: {  	s3 =	sld [smem:$0x3FFC];
	_ =	sdelay $0x3  }
0x94: {  	_ =	strace s3  }
0x95: {  	s3 =	sld [smem:$0x3FFD];
	_ =	sdelay $0x3  }
0x96: {  	_ =	strace s3  }
0x97: {  	_ =	strace $0x8FFFFFFF  }
0x98: {  	s19 =	sld [smem:$0x3FDB];
	_ =	sdelay $0x1  }
0x99: {  	s4 =	simm.s32 $_scs_section_size  }
0x9a: {  	s5 =	simm.s32 $_size__tile_overlayer_lowered;
	s6 =	simm.s32 $_tile_overlayer_lowered  }
0x9b: {  	s22 =	simm.s32 $0x1BFF;
	s21 =	sshll.u32 s6, $0x1;
	s3 =	sadd.s32 s4, s19  }
0x9c: {  	s7 =	simm.s32 $0x0;
	s20 =	sshll.u32 s5, $0x1;
	s5 =	sadd.s32 s21, s3  }
0x9d: {  	[timem:s7], [sflag:s22] =	dma.local [hbm:s5], s20  }
0x9e: {  	_ =	swait.ge [sflag:s22], s20  }
0x9f: {  	s4 =	ssub.s32 $0x0, s20;
	[sflag:s22] =	ssyncset.done $0x0  }
0xa0: {  	[sflag:s22] =	ssyncadd.s32 s4;
	_ =	sdelay $0x1  }
0xa1: {  	s23 =	simm.s32 $0x1B8B  }
0xa2: {  	_ =	swait.ge [sflag:s23], $0x1  }
0xa3: {  	[sflag:s23] =	ssyncset.done $0x0  }
0xa4: {  	s25 =	simm.s32 $0x1B8E;
	s24 =	sld [smem:$0x3FFE];
	[sflag:s23] =	ssyncadd.s32 $0xFFFFFFFF  }
0xa5: {  	s26 =	simm.s32 $execute0_lowered;
	[smem:$0x3FD2] =	sst s25  }
0xa6: {  	s5 =	sshll.u32 s26, $0x1;
	_ =	strace $0x80000046;
	[dreg:$0x1] =	wrdreg $0xFFFFFFFF  }
0xa7: {  	s28 =	simm.s32 $_size_execute0_lowered;
	s3 =	sadd.s32 s3, s5;
	[dreg:$0x0] =	wrdreg $0x0  }
0xa8: {  	s5 =	sshll.u32 s28, $0x1;
	[dreg:$0x2] =	wrdreg s3  }
0xa9: {  	[dreg:$0x3] =	wrdreg s5  }
0xaa: {  	[dreg:$0x4] =	wrdreg $0xC0  }
0xab: {  	_ =	task [dreg:s7], $0x5FFFF  }
0xac: {  	[dreg:$0x1] =	wrdreg $0xFFFFFFFF  }
0xad: {  	[dreg:$0x0] =	wrdreg $0x60  }
0xae: {  	[dreg:$0x2] =	wrdreg s24  }
0xaf: {  	[dreg:$0x3] =	wrdreg s2  }
0xb0: {  	[dreg:$0x4] =	wrdreg $0x4F000  }
0xb1: {  	[dreg:$0x5] =	wrdreg $0x9  }
0xb2: {  	_ =	task.clear_ibuf [dreg:s7], $0x6FFFF;
	_ =	strace $0x90000046  }
0xb3: {  	s29 =	simm.s32 $0x9;
	_ =	strace $0x80000048  }
0xb4: {  	_ =	swait.ge [sflag:s29], $0x1  }
0xb5: {  	[sflag:s29] =	ssyncadd.s32 $0xFFFFFFFF  }
0xb6: {  	_ =	strace $0x90000048  }
0xb7: {  	_ =	sfence  }
0xb8: {  	s30 =	sld [smem:$0x0];
	_ =	sdelay $0x2  }
0xb9: {  	s31 =	sshll.u32 s1, $0xD;
	s1 =	sshrl.u32 s1, $0x2  }
0xba: {  	s3 =	sand.u32 $0x4000, s31;
	s1 =	sadd.s32 s1, s30  }
0xbb: {  	s0 =	sor.u32 s3, s0;
	s1 =	sshll.u32 s1, $0x11  }
0xbc: {  	s0 =	sor.u32 s1, s0  }
0xbd: {  	s0 =	sadd.s32 $0x8F2B, s0  }
0xbe: {  	[sflag:s0] =	ssyncadd.remote.s32 $0x1  }
0xbf: {  	_ =	sfence.sel $0xFFFF  }
0xc0: {  	[dreg:$0x0] =	wrdreg $0xFFFFFFFF;
	(pc) =	sbr.abs _section_cstart, $3  }
0xc1: {  	[dreg:$0x1] =	wrdreg $0xFFFFFFFF  }
0xc2: {  	_ =	task.clear_ibuf [dreg:s7], $0x2FFFF;
	_ =	strace $0x9FFFFFFF  }
0xc3: {  	(tm) =	ssettm $0x7FFFFFFF  }
tec
execute0_lowered:
.L_overlay_start_1:
0x0: {  	(tag) =	ssettag $0x1  }
0x1: {  	s0 =	rddreg [dreg:$0x0]  }
0x2: {  	s4 =	rddreg [dreg:$0x1]  }
0x3: {  	s2 =	rddreg [dreg:$0x2]  }
0x4: {  	s3 =	srdreg.scid;
	s14 =	simm.s32 $0x0;
	s1 =	stileid.u32  }
0x5: {  	s28 =	simm.s32 $0x1;
	s29 =	simm.s32 $0x800;
	s7 =	smul.u32 $0x31000, s1  }
0x6: {  	s30 =	simm.s32 $0x2;
	s31 =	simm.s32 $0x1800;
	s9 =	smul.u32 $0x4A00, s1  }
0x7: {  	s3 =	sand.u32 $0x1, s3;
	[smem:$0x7FF] =	sst s14;
	s15 =	smul.u32 $0x62000, s1  }
0x8: {  	s5 =	sadd.s32 $0x2200, s0;
	s8 =	sadd.s32 $0x63E00, s0;
	s6 =	smul.u32 $0x310000, s3  }
0x9: {  	_ =	strace $0x80000047;
	s10 =	ssub.s32 $0x2, s3;
	s3 =	smul.u32 $0x4A000, s3  }
0xa: {  	s20 =	sshrl.u32 s10, $0x1;
	s11 =	sor.u32 $0x80, s9;
	s13 =	sshrl.u32 s9, $0x3  }
0xb: {  	s24 =	sor.u32 $0x100, s9;
	s6 =	sadd.s32 s7, s6;
	s16 =	sadd.s32 s9, s3  }
0xc: {  	s21 =	sadd.s32 s3, s11;
	s22 =	sadd.s32 s8, s13;
	s23 =	sshrl.u32 s11, $0x3  }
0xd: {  	s9 =	sor.u32 $0x180, s9;
	s25 =	sadd.s32 s3, s24;
	s11 =	sshrl.u32 s24, $0x3  }
0xe: {  	s7 =	sshrl.u32 s7, $0x1;
	s6 =	sshrl.u32 s6, $0x4;
	s12 =	sshrl.u32 s16, $0x3  }
0xf: {  	[dreg:$0xb] =	wrdreg s22;
	s3 =	sadd.s32 s3, s9;
	s26 =	sadd.s32 s8, s11  }
0x10: {  	s11 =	sshrl.u32 s9, $0x3;
	s13 =	sadd.s32 s7, s2;
	s18 =	sadd.s32 $0x380, s16  }
0x11: {  	s0 =	sadd.s32 s6, s0;
	s6 =	ssub.s32 s10, s20;
	s10 =	sshrl.u32 s21, $0x3  }
0x12: {  	s12 =	sadd.s32 s4, s12;
	s3 =	sshrl.u32 s3, $0x3;
	[dreg:$0xf] =	wrdreg s26  }
0x13: {  	s19 =	sshrl.u32 s18, $0x3;
	s20 =	sadd.s32 $0x300, s16;
	s21 =	sadd.s32 $0x280, s16  }
0x14: {  	s26 =	sadd.s32 $0x200, s16;
	s18 =	simm.s32 $0x9;
	[dreg:$0xa] =	wrdreg s12  }
0x15: {  	s10 =	sadd.s32 s4, s10;
	s3 =	sadd.s32 s4, s3;
	[dreg:$0x8] =	wrdreg s26  }
0x16: {  	s12 =	smul.u32 $0x940, s1;
	s0 =	sadd.s32 $0x6D200, s0;
	[dreg:$0xc] =	wrdreg s10  }
0x17: {  	s7 =	sadd.s32 s19, s4;
	s24 =	smax.u32 s6, $0x1;
	[dreg:$0x10] =	wrdreg s3  }
0x18: {  	s19 =	simm.s32 $0x4;
	s26 =	simm.s32 $0x8;
	[dreg:$0x12] =	wrdreg s0  }
0x19: {  	s10 =	sadd.s32 s8, s23;
	s3 =	sadd.s32 s8, s11;
	[dreg:$0x5] =	wrdreg s7  }
0x1a: {  	s23 =	sshrl.u32 s21, $0x3;
	[dreg:$0x13] =	wrdreg s24;
	s0 =	sshrl.u32 s13, $0x3  }
0x1b: {  	s21 =	simm.s32 $0x3800;
	s24 =	simm.s32 $0x7;
	[dreg:$0xd] =	wrdreg s10  }
0x1c: {  	s10 =	sshrl.u32 s25, $0x3;
	[dreg:$0x11] =	wrdreg s3;
	s17 =	sadd.s32 s12, s8  }
0x1d: {  	s8 =	sshrl.u32 s20, $0x3;
	s25 =	sadd.s32 s23, s4;
	[dreg:$0x15] =	wrdreg s0  }
0x1e: {  	s3 =	sshrl.u32 s15, $0x2;
	s20 =	simm.s32 $0x80;
	[dreg:$0x4] =	wrdreg s17  }
0x1f: {  	s0 =	simm.s32 $0x3;
	s10 =	sadd.s32 s4, s10;
	[dreg:$0x7] =	wrdreg s25  }
0x20: {  	s23 =	simm.s32 $0x6;
	s22 =	sadd.s32 s8, s4;
	[dreg:$0xe] =	wrdreg s10  }
0x21: {  	s1 =	sadd.s32 s3, s2;
	s8 =	simm.s32 $0x4800;
	[dreg:$0x6] =	wrdreg s22  }
0x22: {  	v0 =	vimm.bf16 $0.0e+00;
	s3 =	simm.s32 $0x2800;
	s22 =	simm.s32 $0x5;
	[dreg:$0x14] =	wrdreg s1  }
.LBB2_1:
0x23: {  	s6 =	simm.s32 $0x0  }
.LBB2_2:
0x24: {  	p0 =	sne.s32 s6, $0x1B80  }
.Ltmp0:
0x25: {  	_ = 	snop;
	(pc) =	sbr.rel @p0 .LBB2_2-.Ltmp0, $4  }
0x26: {  	_ = 	snop  }
0x27: {  	s7 =	sshra.s32 s6, $0x2  }
0x28: {  	[tilespmem:s7+$0x4800] =	vst v0  }
0x29: {  	s6 =	sadd.s32 $0x80, s6;
	[tilespmem:s7+$0x4810] =	vst v0  }
0x2a: {  	[dreg:$0x9] =	wrdreg s14;
	s6 =	sadd.s32 $0x0, s1  }
0x2b: {  	[spmem:s6] =	stream.linear.scatter [tilespmem:s8], [sflag:$0x9], $0x700, $0x38;
	[tilespmem:$0x1D700] =	vst v63  }
0x2c: {  	s6 =	simm.s32 $0x1C00;
	_ =	swait.ge [sflag:s18], $0x700  }
.LBB2_4:
0x2d: {  	s7 =	sshra.s32 s6, $0x2;
	[sflag:s18] =	ssyncset.done $0x0;
	p0 =	sne.s32 s6, $0x60400  }
.Ltmp1:
0x2e: {  	s7 =	sadd.s32 s7, s1;
	[sflag:s18] =	ssyncadd.s32 $0xFFFFF900;
	(pc) =	sbr.rel @p0 .LBB2_4-.Ltmp1, $3  }
0x2f: {  	[spmem:s7] =	stream.linear.scatter [tilespmem:s8], [sflag:$0x9], $0x700, $0x38;
	[tilespmem:$0x1D700] =	vst v63  }
0x30: {  	s6 =	sadd.s32 $0x1C00, s6;
	_ =	sdelay $0x1  }
0x31: {  	_ =	swait.ge [sflag:s18], $0x700  }
0x32: {  	[sflag:s18] =	ssyncset.done $0x0  }
0x33: {  	[sflag:s18] =	ssyncadd.s32 $0xFFFFF900  }
0x34: {  	[bflag:$0x0] =	sbarrier.arrive $0xFFFF  }
0x35: {  	s6 =	simm.s32 $0x0;
	s1 =	rddreg [dreg:$0xa]  }
0x36: {  	[tilespmem:s6], [sflag:$0x1] =	stream.linear.gather [hbm4b:s1+s6], $0x80, $0x38;
	[tilespmem:$0x1D700] =	vst v63  }
0x37: {  	s7 =	simm.s32 $0x400;
	s15 =	rddreg [dreg:$0xb]  }
0x38: {  	[tilespmem:s7], [sflag:$0x1] =	stream.linear.gather [hbm4b:s15+s6], $0x80, $0x38;
	[tilespmem:$0x1D700] =	vst v63  }
0x39: {  	s16 =	rddreg [dreg:$0xc]  }
0x3a: {  	[tilespmem:s20], [sflag:$0x2] =	stream.linear.gather [hbm4b:s16+s6], $0x80, $0x38;
	[tilespmem:$0x1D700] =	vst v63  }
0x3b: {  	s25 =	simm.s32 $0x480;
	s17 =	rddreg [dreg:$0xd]  }
0x3c: {  	[tilespmem:s25], [sflag:$0x2] =	stream.linear.gather [hbm4b:s17+s6], $0x80, $0x38;
	[tilespmem:$0x1D700] =	vst v63  }
0x3d: {  	s8 =	simm.s32 $0x100;
	s7 =	rddreg [dreg:$0xe]  }
0x3e: {  	[tilespmem:s8], [sflag:$0x3] =	stream.linear.gather [hbm4b:s7+s6], $0x80, $0x38;
	[tilespmem:$0x1D700] =	vst v63  }
0x3f: {  	s10 =	simm.s32 $0x500;
	s9 =	rddreg [dreg:$0xf]  }
0x40: {  	[tilespmem:s10], [sflag:$0x3] =	stream.linear.gather [hbm4b:s9+s6], $0x80, $0x38;
	[tilespmem:$0x1D700] =	vst v63  }
0x41: {  	s12 =	simm.s32 $0x180;
	s11 =	rddreg [dreg:$0x10]  }
0x42: {  	[tilespmem:s12], [sflag:$0x4] =	stream.linear.gather [hbm4b:s11+s6], $0x80, $0x38;
	[tilespmem:$0x1D700] =	vst v63  }
0x43: {  	s14 =	simm.s32 $0x580;
	s13 =	rddreg [dreg:$0x11]  }
0x44: {  	[tilespmem:s14], [sflag:$0x4] =	stream.linear.gather [hbm4b:s13+s6], $0x80, $0x38;
	[tilespmem:$0x1D700] =	vst v63  }
0x45: {  	_ =	swait.ge [sflag:s28], $0x80  }
0x46: {  	[sflag:s28] =	ssyncset.done $0x0  }
0x47: {  	[sflag:s28] =	ssyncadd.s32 $0xFFFFFF80  }
0x48: {  	_ =	swait.ge [sflag:s28], $0x80  }
0x49: {  	[sflag:s28] =	ssyncset.done $0x0  }
0x4a: {  	s7 =	sand.u32 $0x200, s6;
	[sflag:s28] =	ssyncadd.s32 $0xFFFFFF80  }
0x4b: {  	[tilespmem:s29], [sflag:$0x5] =	stream.indirect.gather [hbm4b:s5+s20], $0x20, s7, s20, $0xb8;
	[tilespmem:$0x1D700] =	vst v63  }
0x4c: {  	_ =	swait.ge [sflag:s30], $0x80  }
0x4d: {  	[sflag:s30] =	ssyncset.done $0x0  }
0x4e: {  	[sflag:s30] =	ssyncadd.s32 $0xFFFFFF80  }
0x4f: {  	_ =	swait.ge [sflag:s30], $0x80  }
0x50: {  	[sflag:s30] =	ssyncset.done $0x0  }
0x51: {  	s6 =	sor.u32 $0x80, s7;
	[sflag:s30] =	ssyncadd.s32 $0xFFFFFF80  }
0x52: {  	[tilespmem:s31], [sflag:$0x6] =	stream.indirect.gather [hbm4b:s5+s20], $0x20, s6, s20, $0xb8;
	[tilespmem:$0x1D700] =	vst v63  }
0x53: {  	_ =	swait.ge [sflag:s0], $0x80  }
0x54: {  	[sflag:s0] =	ssyncset.done $0x0  }
0x55: {  	[sflag:s0] =	ssyncadd.s32 $0xFFFFFF80  }
0x56: {  	_ =	swait.ge [sflag:s0], $0x80  }
0x57: {  	[sflag:s0] =	ssyncset.done $0x0  }
0x58: {  	s15 =	sor.u32 $0x100, s7;
	[sflag:s0] =	ssyncadd.s32 $0xFFFFFF80  }
0x59: {  	[tilespmem:s3], [sflag:$0x7] =	stream.indirect.gather [hbm4b:s5+s20], $0x20, s15, s20, $0xb8;
	[tilespmem:$0x1D700] =	vst v63  }
0x5a: {  	_ =	swait.ge [sflag:s19], $0x80  }
0x5b: {  	[sflag:s19] =	ssyncset.done $0x0  }
0x5c: {  	[sflag:s19] =	ssyncadd.s32 $0xFFFFFF80  }
0x5d: {  	_ =	swait.ge [sflag:s19], $0x80  }
0x5e: {  	p0 =	por $0x0, $0x0;
	[sflag:s19] =	ssyncset.done $0x0;
	s6 =	rddreg [dreg:$0x8]  }
0x5f: {  	s8 =	sor.u32 $0x180, s7;
	[sflag:s19] =	ssyncadd.s32 $0xFFFFFF80;
	s6 =	sadd.s32 @!p0 $0x0, s6  }
0x60: {  	[tilespmem:s21], [sflag:$0x8] =	stream.indirect.gather [hbm4b:s5+s20], $0x20, s8, s20, $0xb8;
	[tilespmem:$0x1D700] =	vst v63  }
0x61: {  	s9 =	ssub.s32 @!p0 $0x200, s7;
	s6 =	sshrl.u32 @!p0 s6, $0x3  }
0x62: {  	s10 =	simm.s32 @!p0 $0x0;
	s8 =	rddreg [dreg:$0x4];
	s6 =	sadd.s32 @!p0 s4, s6  }
0x63: {  	[tilespmem:s9], [sflag:$0x1] =	stream.linear.gather @!p0 [hbm4b:s6+s10], $0x80, $0x38;
	[tilespmem:$0x1D700] =	vst v63  }
0x64: {  	s6 =	sadd.s32 @!p0 $0x0, s8  }
0x65: {  	s8 =	rddreg [dreg:$0x7];
	s9 =	ssub.s32 @!p0 $0x600, s7;
	s11 =	sadd.s32 @!p0 $0x40, s6  }
0x66: {  	[tilespmem:s9], [sflag:$0x1] =	stream.linear.gather @!p0 [hbm4b:s11+s10], $0x80, $0x38;
	[tilespmem:$0x1D700] =	vst v63  }
0x67: {  	s8 =	sadd.s32 @!p0 $0x0, s8;
	s9 =	ssub.s32 @!p0 $0x280, s7  }
0x68: {  	[tilespmem:s9], [sflag:$0x2] =	stream.linear.gather @!p0 [hbm4b:s8+s10], $0x80, $0x38;
	[tilespmem:$0x1D700] =	vst v63  }
0x69: {  	s11 =	rddreg [dreg:$0x6];
	s8 =	ssub.s32 @!p0 $0x680, s7;
	s9 =	sadd.s32 @!p0 $0x50, s6  }
0x6a: {  	[tilespmem:s8], [sflag:$0x2] =	stream.linear.gather @!p0 [hbm4b:s9+s10], $0x80, $0x38;
	[tilespmem:$0x1D700] =	vst v63  }
0x6b: {  	s8 =	ssub.s32 @!p0 $0x300, s7;
	s9 =	sadd.s32 @!p0 $0x0, s11  }
0x6c: {  	[tilespmem:s8], [sflag:$0x3] =	stream.linear.gather @!p0 [hbm4b:s9+s10], $0x80, $0x38;
	[tilespmem:$0x1D700] =	vst v63  }
0x6d: {  	s11 =	rddreg [dreg:$0x5];
	s8 =	ssub.s32 @!p0 $0x700, s7;
	s9 =	sadd.s32 @!p0 $0x60, s6  }
0x6e: {  	[tilespmem:s8], [sflag:$0x3] =	stream.linear.gather @!p0 [hbm4b:s9+s10], $0x80, $0x38;
	[tilespmem:$0x1D700] =	vst v63  }
0x6f: {  	s8 =	sxor.u32 @!p0 $0x380, s7;
	s9 =	sadd.s32 @!p0 $0x0, s11  }
0x70: {  	[tilespmem:s8], [sflag:$0x4] =	stream.linear.gather @!p0 [hbm4b:s9+s10], $0x80, $0x38;
	[tilespmem:$0x1D700] =	vst v63  }
0x71: {  	s6 =	sadd.s32 @!p0 $0x70, s6;
	s8 =	sor.u32 @!p0 $0x400, s8  }
0x72: {  	[tilespmem:s8], [sflag:$0x4] =	stream.linear.gather @!p0 [hbm4b:s6+s10], $0x80, $0x38;
	[tilespmem:$0x1D700] =	vst v63  }
0x73: {  	_ =	swait.ge [sflag:s22], $0x1000  }
0x74: {  	[sflag:s22] =	ssyncset.done $0x0  }
0x75: {  	s16 =	sor.u32 $0x400, s7;
	[sflag:s22] =	ssyncadd.s32 $0xFFFFF000  }
0x76: {  	[spmem:s2] =	stream.indirect.scatter.add.bf16 [tilespmem:s29], [sflag:$0x9], $0x20, s16, s20, $0xb8;
	[tilespmem:$0x1D700] =	vst v63  }
0x77: {  	_ =	swait.ge [sflag:s18], $0x1000  }
0x78: {  	[sflag:s18] =	ssyncset.done $0x0  }
0x79: {  	[sflag:s18] =	ssyncadd.s32 $0xFFFFF000  }
0x7a: {  	_ =	swait.ge [sflag:s23], $0x1000  }
0x7b: {  	[sflag:s23] =	ssyncset.done $0x0  }
0x7c: {  	s17 =	sor.u32 $0x480, s7;
	[sflag:s23] =	ssyncadd.s32 $0xFFFFF000  }
0x7d: {  	[spmem:s2] =	stream.indirect.scatter.add.bf16 [tilespmem:s31], [sflag:$0x9], $0x20, s17, s20, $0xb8;
	[tilespmem:$0x1D700] =	vst v63  }
0x7e: {  	_ =	swait.ge [sflag:s18], $0x1000  }
0x7f: {  	[sflag:s18] =	ssyncset.done $0x0  }
0x80: {  	[sflag:s18] =	ssyncadd.s32 $0xFFFFF000  }
0x81: {  	_ =	swait.ge [sflag:s24], $0x1000  }
0x82: {  	[sflag:s24] =	ssyncset.done $0x0  }
0x83: {  	s25 =	sor.u32 $0x500, s7;
	[sflag:s24] =	ssyncadd.s32 $0xFFFFF000  }
0x84: {  	[spmem:s2] =	stream.indirect.scatter.add.bf16 [tilespmem:s3], [sflag:$0x9], $0x20, s25, s20, $0xb8;
	[tilespmem:$0x1D700] =	vst v63  }
0x85: {  	_ =	swait.ge [sflag:s18], $0x1000  }
0x86: {  	[sflag:s18] =	ssyncset.done $0x0  }
0x87: {  	[sflag:s18] =	ssyncadd.s32 $0xFFFFF000  }
0x88: {  	_ =	swait.ge [sflag:s26], $0x1000  }
0x89: {  	s6 =	simm.s32 $0x40;
	[sflag:s26] =	ssyncset.done $0x0  }
0x8a: {  	s8 =	sor.u32 $0x580, s7;
	s7 =	simm.s32 $0x200;
	[sflag:s26] =	ssyncadd.s32 $0xFFFFF000  }
.LBB2_6:
0x8b: {  	[spmem:s2] =	stream.indirect.scatter.add.bf16 [tilespmem:s21], [sflag:$0x9], $0x20, s8, s20, $0xb8;
	[tilespmem:$0x1D700] =	vst v63  }
0x8c: {  	_ =	swait.ge [sflag:s18], $0x1000  }
0x8d: {  	[sflag:s18] =	ssyncset.done $0x0  }
0x8e: {  	[sflag:s18] =	ssyncadd.s32 $0xFFFFF000  }
0x8f: {  	_ =	swait.ge [sflag:s28], $0x80  }
0x90: {  	[sflag:s28] =	ssyncset.done $0x0  }
0x91: {  	[sflag:s28] =	ssyncadd.s32 $0xFFFFFF80  }
0x92: {  	_ =	swait.ge [sflag:s28], $0x80  }
0x93: {  	[sflag:s28] =	ssyncset.done $0x0  }
0x94: {  	s8 =	sand.u32 $0x200, s7;
	[sflag:s28] =	ssyncadd.s32 $0xFFFFFF80  }
0x95: {  	[tilespmem:s29], [sflag:$0x5] =	stream.indirect.gather [hbm4b:s5+s20], $0x20, s8, s20, $0xb8;
	[tilespmem:$0x1D700] =	vst v63  }
0x96: {  	_ =	swait.ge [sflag:s30], $0x80  }
0x97: {  	[sflag:s30] =	ssyncset.done $0x0  }
0x98: {  	[sflag:s30] =	ssyncadd.s32 $0xFFFFFF80  }
0x99: {  	_ =	swait.ge [sflag:s30], $0x80  }
0x9a: {  	[sflag:s30] =	ssyncset.done $0x0  }
0x9b: {  	s10 =	sor.u32 $0x80, s8;
	[sflag:s30] =	ssyncadd.s32 $0xFFFFFF80  }
0x9c: {  	[tilespmem:s31], [sflag:$0x6] =	stream.indirect.gather [hbm4b:s5+s20], $0x20, s10, s20, $0xb8;
	[tilespmem:$0x1D700] =	vst v63  }
0x9d: {  	_ =	swait.ge [sflag:s0], $0x80  }
0x9e: {  	[sflag:s0] =	ssyncset.done $0x0  }
0x9f: {  	[sflag:s0] =	ssyncadd.s32 $0xFFFFFF80  }
0xa0: {  	_ =	swait.ge [sflag:s0], $0x80  }
0xa1: {  	[sflag:s0] =	ssyncset.done $0x0  }
0xa2: {  	s15 =	sor.u32 $0x100, s8;
	[sflag:s0] =	ssyncadd.s32 $0xFFFFFF80  }
0xa3: {  	[tilespmem:s3], [sflag:$0x7] =	stream.indirect.gather [hbm4b:s5+s20], $0x20, s15, s20, $0xb8;
	[tilespmem:$0x1D700] =	vst v63  }
0xa4: {  	_ =	swait.ge [sflag:s19], $0x80  }
0xa5: {  	[sflag:s19] =	ssyncset.done $0x0  }
0xa6: {  	[sflag:s19] =	ssyncadd.s32 $0xFFFFFF80  }
0xa7: {  	s9 =	smov.u32 s6;
	_ =	swait.ge [sflag:s19], $0x80  }
0xa8: {  	p1 =	seq.s32 s9, $0x900;
	[sflag:s19] =	ssyncset.done $0x0;
	s10 =	rddreg [dreg:$0x8]  }
0xa9: {  	s11 =	sor.u32 $0x180, s8;
	[sflag:s19] =	ssyncadd.s32 $0xFFFFFF80;
	s10 =	sadd.s32 @!p1 s7, s10  }
0xaa: {  	[tilespmem:s21], [sflag:$0x8] =	stream.indirect.gather [hbm4b:s5+s20], $0x20, s11, s20, $0xb8;
	[tilespmem:$0x1D700] =	vst v63  }
0xab: {  	s25 =	simm.s32 @!p1 $0x0;
	s10 =	sshrl.u32 @!p1 s10, $0x3  }
0xac: {  	s15 =	ssub.s32 @!p1 $0x200, s8;
	s11 =	rddreg [dreg:$0x4];
	s10 =	sadd.s32 @!p1 s4, s10  }
0xad: {  	[tilespmem:s15], [sflag:$0x1] =	stream.linear.gather @!p1 [hbm4b:s10+s25], $0x80, $0x38;
	[tilespmem:$0x1D700] =	vst v63  }
0xae: {  	s16 =	smov.u32 s4;
	s10 =	sadd.s32 @!p1 s9, s11  }
0xaf: {  	s4 =	ssub.s32 @!p1 $0x600, s8;
	s11 =	rddreg [dreg:$0x7];
	s1 =	sadd.s32 @!p1 $0x40, s10  }
0xb0: {  	[tilespmem:s4], [sflag:$0x1] =	stream.linear.gather @!p1 [hbm4b:s1+s25], $0x80, $0x38;
	[tilespmem:$0x1D700] =	vst v63  }
0xb1: {  	s1 =	ssub.s32 @!p1 $0x280, s8;
	s4 =	sadd.s32 @!p1 s9, s11  }
0xb2: {  	[tilespmem:s1], [sflag:$0x2] =	stream.linear.gather @!p1 [hbm4b:s4+s25], $0x80, $0x38;
	[tilespmem:$0x1D700] =	vst v63  }
0xb3: {  	s12 =	ssub.s32 @!p1 $0x680, s8;
	s11 =	rddreg [dreg:$0x6];
	s1 =	sadd.s32 @!p1 $0x50, s10  }
0xb4: {  	[tilespmem:s12], [sflag:$0x2] =	stream.linear.gather @!p1 [hbm4b:s1+s25], $0x80, $0x38;
	[tilespmem:$0x1D700] =	vst v63  }
0xb5: {  	s13 =	ssub.s32 @!p1 $0x300, s8;
	s1 =	sadd.s32 @!p1 s9, s11  }
0xb6: {  	[tilespmem:s13], [sflag:$0x3] =	stream.linear.gather @!p1 [hbm4b:s1+s25], $0x80, $0x38;
	[tilespmem:$0x1D700] =	vst v63  }
0xb7: {  	s14 =	ssub.s32 @!p1 $0x700, s8;
	s4 =	rddreg [dreg:$0x5];
	s1 =	sadd.s32 @!p1 $0x60, s10  }
0xb8: {  	[tilespmem:s14], [sflag:$0x3] =	stream.linear.gather @!p1 [hbm4b:s1+s25], $0x80, $0x38;
	[tilespmem:$0x1D700] =	vst v63  }
0xb9: {  	s15 =	sxor.u32 @!p1 $0x380, s8;
	s1 =	sadd.s32 @!p1 s9, s4  }
0xba: {  	[tilespmem:s15], [sflag:$0x4] =	stream.linear.gather @!p1 [hbm4b:s1+s25], $0x80, $0x38;
	[tilespmem:$0x1D700] =	vst v63  }
0xbb: {  	s17 =	sor.u32 @!p1 $0x400, s15;
	s1 =	sadd.s32 @!p1 $0x70, s10  }
0xbc: {  	[tilespmem:s17], [sflag:$0x4] =	stream.linear.gather @!p1 [hbm4b:s1+s25], $0x80, $0x38;
	[tilespmem:$0x1D700] =	vst v63  }
0xbd: {  	_ =	swait.ge [sflag:s22], $0x1000  }
0xbe: {  	[sflag:s22] =	ssyncset.done $0x0  }
0xbf: {  	s4 =	smov.u32 s16;
	s16 =	sor.u32 $0x400, s8;
	[sflag:s22] =	ssyncadd.s32 $0xFFFFF000  }
0xc0: {  	[spmem:s2] =	stream.indirect.scatter.add.bf16 [tilespmem:s29], [sflag:$0x9], $0x20, s16, s20, $0xb8;
	[tilespmem:$0x1D700] =	vst v63  }
0xc1: {  	_ =	swait.ge [sflag:s18], $0x1000  }
0xc2: {  	[sflag:s18] =	ssyncset.done $0x0  }
0xc3: {  	[sflag:s18] =	ssyncadd.s32 $0xFFFFF000  }
0xc4: {  	_ =	swait.ge [sflag:s23], $0x1000  }
0xc5: {  	[sflag:s23] =	ssyncset.done $0x0  }
0xc6: {  	s17 =	sor.u32 $0x480, s8;
	[sflag:s23] =	ssyncadd.s32 $0xFFFFF000  }
0xc7: {  	[spmem:s2] =	stream.indirect.scatter.add.bf16 [tilespmem:s31], [sflag:$0x9], $0x20, s17, s20, $0xb8;
	[tilespmem:$0x1D700] =	vst v63  }
0xc8: {  	_ =	swait.ge [sflag:s18], $0x1000  }
0xc9: {  	[sflag:s18] =	ssyncset.done $0x0  }
0xca: {  	[sflag:s18] =	ssyncadd.s32 $0xFFFFF000  }
0xcb: {  	_ =	swait.ge [sflag:s24], $0x1000  }
0xcc: {  	[sflag:s24] =	ssyncset.done $0x0  }
0xcd: {  	s6 =	sadd.s32 $0x40, s6;
	s25 =	sor.u32 $0x500, s8;
	[sflag:s24] =	ssyncadd.s32 $0xFFFFF000  }
0xce: {  	[spmem:s2] =	stream.indirect.scatter.add.bf16 [tilespmem:s3], [sflag:$0x9], $0x20, s25, s20, $0xb8;
	[tilespmem:$0x1D700] =	vst v63  }
0xcf: {  	p0 =	sne.s32 s6, $0x940;
	_ =	swait.ge [sflag:s18], $0x1000  }
.Ltmp2:
0xd0: {  	[sflag:s18] =	ssyncset.done $0x0;
	(pc) =	sbr.rel @p0 .LBB2_6-.Ltmp2, $4  }
0xd1: {  	[sflag:s18] =	ssyncadd.s32 $0xFFFFF000  }
0xd2: {  	_ =	swait.ge [sflag:s26], $0x1000  }
0xd3: {  	[sflag:s26] =	ssyncset.done $0x0  }
0xd4: {  	s7 =	sadd.s32 $0x200, s7;
	s8 =	sor.u32 $0x580, s8;
	[sflag:s26] =	ssyncadd.s32 $0xFFFFF000  }
0xd5: {  	[spmem:s2] =	stream.indirect.scatter.add.bf16 [tilespmem:s21], [sflag:$0x9], $0x20, s8, s20, $0xb8;
	[tilespmem:$0x1D700] =	vst v63  }
0xd6: {  	_ =	swait.ge [sflag:s18], $0x1000  }
0xd7: {  	[sflag:s18] =	ssyncset.done $0x0  }
0xd8: {  	[sflag:s18] =	ssyncadd.s32 $0xFFFFF000  }
0xd9: {  	s1 =	stileid.u32;
	[bflag:$0x0] =	sbarrier.arrive $0xFFFF  }
0xda: {  	s1 =	sshll.u32 s1, $0x6;
	s6 =	rddreg [dreg:$0x12]  }
0xdb: {  	s1 =	sor.u32 $0x1C09, s1;
	s7 =	rddreg [dreg:$0x15]  }
0xdc: {  	[hbm:s6], [sflag:s1] =	dma.local [spmem:s7], $0x3100  }
0xdd: {  	_ =	swait.ge [sflag:s18], $0x3100  }
0xde: {  	s14 =	rddreg [dreg:$0x9]  }
0xdf: {  	s25 =	rddreg [dreg:$0x13];
	s14 =	sadd.s32 $0x1, s14  }
0xe0: {  	p0 =	sne.s32 s14, s25  }
.Ltmp3:
0xe1: {  	_ = 	snop;
	(pc) =	sbr.rel @p0 .LBB2_1-.Ltmp3, $3  }
0xe2: {  	_ =	sdelay $0x1  }
0xe3: {  	[sflag:s18] =	ssyncset.done $0x0  }
0xe4: {  	s8 =	simm.s32 $0x4800;
	s1 =	rddreg [dreg:$0x14];
	[sflag:s18] =	ssyncadd.s32 $0xFFFFCF00  }
0xe5: {  	_ =	sfence.sel $0x180000  }
0xe6: {  	[bflag:$0x0] =	sbarrier.arrive $0xFFFF  }
0xe7: {  	_ =	strace $0x90000047  }
0xe8: {  	s0 =	stileid.u32;
	[bflag:$0x2] =	sbarrier.arrive $0xFFFF  }
0xe9: {  	p0 =	sne.s32 s0, $0x0;
	s0 =	rddreg [dreg:$0x3]  }
0xea: {  	s0 =	sadd.s32 @!p0 $0x100000, s0  }
0xeb: {  	[sflag:s0] =	ssyncadd.tile.s32 @!p0 $0x1;
	_ =	shalt  }
.Lfunc_end2:
_tile_overlayer_lowered:
.L_overlay_start_2:
0xec: {  	(tag) =	ssettag $0x2  }
0xed: {  	s0 =	rddreg [dreg:$0x0];
	s2 =	stileid.u32  }
0xee: {  	s1 =	rddreg [dreg:$0x1];
	p0 =	sne.s32 s2, $0x0  }
0xef: {  	s3 =	rddreg [dreg:$0x2];
	[bflag:$0x3] =	sbarrier.arrive $0xFFFF;
	s2 =	simm.s32 @!p0 $0x1C09  }
0xf0: {  	[timem:s3], [sflag:s2] =	dma.local @!p0 [hbm:s0], s1  }
0xf1: {  	s0 =	simm.s32 @!p0 $0x9  }
0xf2: {  	_ =	swait.ge @!p0 [sflag:s0], s1  }
0xf3: {  	s1 =	ssub.s32 @!p0 $0x0, s1;
	[sflag:s0] =	ssyncset.done @!p0 $0x0  }
0xf4: {  	[sflag:s0] =	ssyncadd.s32 @!p0 s1  }
0xf5: {  	[bflag:$0x3] =	sbarrier.arrive $0xFFFF  }
0xf6: {  	_ =	shalt  }

// kernel: kernel.8.cloned.1.call-start
scs
__scs_entry_jumppad:
0x0: {  	(pc) =	sbr.rel $0x88, $3  }
0x1: {  	(tag) =	ssettag $0x0;
	lr =	simm.s32 $0x1  }
0x2: {  	[smem:$0x3F90] =	sst lr;
	_ =	strace $0xD0000000  }
0x3: {  	_ = 	snop  }
0x4: {  	_ = 	snop  }
0x5: {  	_ = 	snop  }
0x6: {  	_ = 	snop  }
0x7: {  	_ = 	snop  }
__scs_overlays_trampoline_lowered:
0x8: {  	[smem:$0x3F9F] =	sst s0  }
0x9: {  	[smem:$0x3FA0] =	sst s1  }
0xa: {  	[smem:$0x3FA1] =	sst s2  }
0xb: {  	[smem:$0x3FA2] =	sst s3  }
0xc: {  	[smem:$0x3FA3] =	sst s4  }
0xd: {  	[smem:$0x3FA4] =	sst s5  }
0xe: {  	[smem:$0x3FA5] =	sst s6  }
0xf: {  	[smem:$0x3FA6] =	sst s7  }
0x10: {  	[smem:$0x3FA7] =	sst s8  }
0x11: {  	[smem:$0x3FA8] =	sst s9;
	s0 =	simm.s32 @!p0 $0x0  }
0x12: {  	s1 =	sld [smem:$0x3F8E];
	s0 =	simm.s32 @p0 $0x1  }
0x13: {  	[smem:$0x3FA9] =	sst s0;
	s0 =	simm.s32 @!p1 $0x0  }
0x14: {  	s2 =	sld [smem:$0x3F8D];
	s0 =	simm.s32 @p1 $0x1  }
0x15: {  	[smem:$0x3FAA] =	sst s0;
	s0 =	simm.s32 @!p2 $0x0  }
0x16: {  	s3 =	sld [smem:$0x3FDB];
	s0 =	simm.s32 @p2 $0x1  }
0x17: {  	s4 =	simm.s32 $0x1BF5;
	[smem:$0x3FAC] =	sst s0  }
0x18: {  	s0 =	sld [smem:$0x3F8F];
	_ =	swait.ge [sflag:s4], $0x0  }
0x19: {  	s7 =	sld [smem:$0x3F90]  }
0x1a: {  	s8 =	sadd.s32 $0xFFFFE003, lr  }
0x1b: {  	s9 =	sadd.s32 $0xFFFFFEF7, lr;
	s5 =	simm.s32 $0xFFFFFFFF;
	p2 =	slt.u32 s8, $0xFFFFF086  }
0x1c: {  	p1 =	slt.u32 s9, $0xF7A;
	s5 =	simm.s32 @!p2 $0x0  }
0x1d: {  	s5 =	simm.s32 @p1 $0x1;
	p0 =	seq.s32 s7, s2  }
0x1e: {  	s7 =	smul.u32 @!p0 $0xF7A, s2;
	p2 =	seq.s32 @!p0 s5, $0x0  }
0x1f: {  	s9 =	smul.u32 $0xF7A, s1;
	s8 =	simm.s32 @!p0 $0x1BF5;
	p2 =	por !p2, p0  }
0x20: {  	[sflag:s8] =	ssyncset.s32 @!p0 $0xFFFFF086;
	s6 =	sadd.s32 @!p0 s3, s7;
	s7 =	simm.s32 @!p0 $0x108  }
0x21: {  	s3 =	sadd.s32 s3, s9;
	s6 =	sadd.s32 @!p0 $0x88, s6;
	s7 =	simm.s32 @p2 $0x1082  }
0x22: {  	[simem:s7], [sflag:s8] =	dma.local @!p0 [hbm:s6], $0xF7A  }
0x23: {  	s9 =	sor.u32 $0xD0000000, s2;
	s6 =	simm.s32 $0x108;
	_ =	swait.ge @!p0 [sflag:s8], $0x0  }
0x24: {  	s3 =	sadd.s32 $0x88, s3;
	s6 =	simm.s32 @!p1 $0x1082;
	[sflag:s4] =	ssyncset.s32 $0xFFFFF086  }
0x25: {  	[simem:s6], [sflag:s4] =	dma.local [hbm:s3], $0xF7A  }
0x26: {  	[smem:$0x3F90] =	sst s1;
	(tag) =	ssettag s2;
	_ =	strace s9  }
0x27: {  	s1 =	sld [smem:$0x3FA0]  }
0x28: {  	s2 =	sld [smem:$0x3FA1]  }
0x29: {  	s4 =	sld [smem:$0x3FA3]  }
0x2a: {  	p0 =	seq.s32 s5, $0x0;
	s5 =	sld [smem:$0x3FA4]  }
0x2b: {  	s6 =	sld [smem:$0x3FA5]  }
0x2c: {  	s7 =	sld [smem:$0x3FA6]  }
0x2d: {  	s3 =	simm.s32 $0x108;
	s8 =	sld [smem:$0x3FA7]  }
0x2e: {  	s3 =	simm.s32 @!p0 $0x1082;
	s9 =	sld [smem:$0x3FA8]  }
0x2f: {  	lr =	sadd.s32 s0, s3;
	s0 =	sld [smem:$0x3F9F]  }
0x30: {  	s3 =	sld [smem:$0x3FA2]  }
0x31: {  	[smem:$0x3FAB] =	sst s10  }
0x32: {  	s10 =	sld [smem:$0x3FA9];
	_ =	sdelay $0x3  }
0x33: {  	p0 =	seq.s32 s10, $0x1;
	s10 =	sld [smem:$0x3FAB];
	_ =	sdelay $0x3  }
0x34: {  	[smem:$0x3FAB] =	sst s10  }
0x35: {  	s10 =	sld [smem:$0x3FAA];
	_ =	sdelay $0x3  }
0x36: {  	p1 =	seq.s32 s10, $0x1;
	s10 =	sld [smem:$0x3FAB];
	_ =	sdelay $0x3  }
0x37: {  	[smem:$0x3FAB] =	sst s10  }
0x38: {  	s10 =	sld [smem:$0x3FAC]  }
0x39: {  	_ = 	snop;
	(pc) =	sbr.ind lr, $3  }
0x3a: {  	_ = 	snop  }
0x3b: {  	_ = 	snop  }
0x3c: {  	p2 =	seq.s32 s10, $0x1;
	s10 =	sld [smem:$0x3FAB]  }
0x3d: {  	_ =	shalt  }
0x3e: {  	_ =	shalt  }
0x3f: {  	_ =	shalt  }
0x40: {  	_ =	shalt  }
0x41: {  	_ =	shalt  }
0x42: {  	_ =	shalt  }
0x43: {  	_ =	shalt  }
0x44: {  	_ =	shalt  }
0x45: {  	_ =	shalt  }
0x46: {  	_ =	shalt  }
0x47: {  	_ =	shalt  }
0x48: {  	_ =	shalt  }
0x49: {  	_ =	shalt  }
0x4a: {  	_ =	shalt  }
0x4b: {  	_ =	shalt  }
0x4c: {  	_ =	shalt  }
0x4d: {  	_ =	shalt  }
0x4e: {  	_ =	shalt  }
0x4f: {  	_ =	shalt  }
0x50: {  	_ =	shalt  }
0x51: {  	_ =	shalt  }
0x52: {  	_ =	shalt  }
0x53: {  	_ =	shalt  }
0x54: {  	_ =	shalt  }
0x55: {  	_ =	shalt  }
0x56: {  	_ =	shalt  }
0x57: {  	_ =	shalt  }
0x58: {  	_ =	shalt  }
0x59: {  	_ =	shalt  }
0x5a: {  	_ =	shalt  }
0x5b: {  	_ =	shalt  }
0x5c: {  	_ =	shalt  }
0x5d: {  	_ =	shalt  }
0x5e: {  	_ =	shalt  }
0x5f: {  	_ =	shalt  }
0x60: {  	_ =	shalt  }
0x61: {  	_ =	shalt  }
0x62: {  	_ =	shalt  }
0x63: {  	_ =	shalt  }
0x64: {  	_ =	shalt  }
0x65: {  	_ =	shalt  }
0x66: {  	_ =	shalt  }
0x67: {  	_ =	shalt  }
0x68: {  	_ =	shalt  }
0x69: {  	_ =	shalt  }
0x6a: {  	_ =	shalt  }
0x6b: {  	_ =	shalt  }
0x6c: {  	_ =	shalt  }
0x6d: {  	_ =	shalt  }
0x6e: {  	_ =	shalt  }
0x6f: {  	_ =	shalt  }
0x70: {  	_ =	shalt  }
0x71: {  	_ =	shalt  }
0x72: {  	_ =	shalt  }
0x73: {  	_ =	shalt  }
0x74: {  	_ =	shalt  }
0x75: {  	_ =	shalt  }
0x76: {  	_ =	shalt  }
0x77: {  	_ =	shalt  }
0x78: {  	_ =	shalt  }
0x79: {  	_ =	shalt  }
0x7a: {  	_ =	shalt  }
0x7b: {  	_ =	shalt  }
0x7c: {  	_ =	shalt  }
0x7d: {  	_ =	shalt  }
0x7e: {  	_ =	shalt  }
0x7f: {  	_ =	shalt  }
0x80: {  	_ =	shalt  }
0x81: {  	_ =	shalt  }
0x82: {  	_ =	shalt  }
0x83: {  	_ =	shalt  }
0x84: {  	_ =	shalt  }
0x85: {  	_ =	shalt  }
0x86: {  	_ =	shalt  }
0x87: {  	_ =	shalt  }
.Lfunc_end0:
.L_simem_size_0:
called_computation.1_lowered:
.L_overlay_start_0:
0x88: {  	s2 =	sld [smem:$0x3FD9]  }
0x89: {  	s3 =	sld [smem:$0x3FFE];
	_ =	sdelay $0x1  }
0x8a: {  	s1 =	srdreg.scid  }
0x8b: {  	s0 =	sand.u32 $0x1, s1  }
0x8c: {  	s17 =	sshll.u32 s0, $0xA;
	s2 =	sadd.s32 s3, s2  }
0x8d: {  	s2 =	sadd.s32 s2, s17  }
0x8e: {  	[smem:$0x3FB7] =	sst s2  }
0x8f: {  	_ = 	snop  }
0x90: {  	(tm) =	ssettm $0x1  }
0x91: {  	s18 =	sld [smem:$0x3FFB];
	_ =	sdelay $0x3  }
0x92: {  	_ =	strace s18  }
0x93: {  	s2 =	sld [smem:$0x3FFC];
	_ =	sdelay $0x3  }
0x94: {  	_ =	strace s2  }
0x95: {  	s2 =	sld [smem:$0x3FFD];
	_ =	sdelay $0x3  }
0x96: {  	_ =	strace s2  }
0x97: {  	_ =	strace $0x8FFFFFFF  }
0x98: {  	s19 =	sld [smem:$0x3FDB];
	_ =	sdelay $0x1  }
0x99: {  	s20 =	simm.s32 $_scs_section_size  }
0x9a: {  	s4 =	simm.s32 $_size__tile_overlayer_lowered;
	s5 =	simm.s32 $_tile_overlayer_lowered  }
0x9b: {  	s6 =	simm.s32 $0x1BFF;
	s21 =	sshll.u32 s5, $0x1;
	s3 =	sadd.s32 s20, s19  }
0x9c: {  	s22 =	simm.s32 $0x0;
	s4 =	sshll.u32 s4, $0x1;
	s5 =	sadd.s32 s21, s3  }
0x9d: {  	[timem:s22], [sflag:s6] =	dma.local [hbm:s5], s4  }
0x9e: {  	_ =	swait.ge [sflag:s6], s4  }
0x9f: {  	s4 =	ssub.s32 $0x0, s4;
	[sflag:s6] =	ssyncset.done $0x0  }
0xa0: {  	[sflag:s6] =	ssyncadd.s32 s4;
	_ =	sdelay $0x1  }
0xa1: {  	s23 =	simm.s32 $0x1B8B  }
0xa2: {  	_ =	swait.ge [sflag:s23], $0x1  }
0xa3: {  	[sflag:s23] =	ssyncset.done $0x0  }
0xa4: {  	[sflag:s23] =	ssyncadd.s32 $0xFFFFFFFF  }
0xa5: {  	s4 =	sld [smem:$0x0]  }
0xa6: {  	s5 =	sand.u32 $0xFFFFFFFE, s1  }
0xa7: {  	p0 =	sne.s32 s1, s5  }
0xa8: {  	s5 =	sshll.u32 @p0 s5, $0xE  }
0xa9: {  	s5 =	sadd.s32 @p0 $0x11B8D, s5;
	s6 =	sshll.u32 @p0 s4, $0x11  }
0xaa: {  	s5 =	sor.u32 @p0 s6, s5  }
0xab: {  	[sflag:s5] =	ssyncadd.remote.s32 @p0 $0x1;
	_ =	sdelay $0x1  }
0xac: {  	s5 =	simm.s32 @p0 $0x1B8D  }
0xad: {  	_ =	swait.eq @p0 [sflag:s5], $0x1  }
0xae: {  	[sflag:s5] =	ssyncadd.s32 @p0 $0xFFFFFFFF  }
0xaf: {  	s6 =	sshll.u32 @!p0 s1, $0xE  }
0xb0: {  	s6 =	sor.u32 @!p0 $0x4000, s6;
	s5 =	simm.s32 @!p0 $0x1B8D  }
0xb1: {  	s4 =	sshll.u32 @!p0 s4, $0x11;
	s6 =	sadd.s32 @!p0 $0x11B8D, s6;
	_ =	swait.eq @!p0 [sflag:s5], $0x1  }
0xb2: {  	s4 =	sor.u32 @!p0 s4, s6;
	[sflag:s5] =	ssyncadd.s32 @!p0 $0xFFFFFFFF  }
0xb3: {  	s25 =	simm.s32 $0x1B8E;
	s24 =	sld [smem:$0x3FFE];
	[sflag:s4] =	ssyncadd.remote.s32 @!p0 $0x1  }
0xb4: {  	s26 =	simm.s32 $execute0_lowered;
	[smem:$0x3FD2] =	sst s25  }
0xb5: {  	s5 =	sshll.u32 s26, $0x1;
	_ =	strace $0x80000049;
	[dreg:$0x1] =	wrdreg $0xFFFFFFFF  }
0xb6: {  	s28 =	simm.s32 $_size_execute0_lowered;
	s3 =	sadd.s32 s3, s5;
	[dreg:$0x0] =	wrdreg $0x0  }
0xb7: {  	s5 =	sshll.u32 s28, $0x1;
	[dreg:$0x2] =	wrdreg s3  }
0xb8: {  	[dreg:$0x3] =	wrdreg s5  }
0xb9: {  	[dreg:$0x4] =	wrdreg $0xC0  }
0xba: {  	_ =	task [dreg:s22], $0x5FFFF  }
0xbb: {  	[dreg:$0x1] =	wrdreg $0xFFFFFFFF  }
0xbc: {  	[dreg:$0x0] =	wrdreg $0x60  }
0xbd: {  	[dreg:$0x2] =	wrdreg s24  }
0xbe: {  	[dreg:$0x3] =	wrdreg $0x10000  }
0xbf: {  	[dreg:$0x4] =	wrdreg $0xA  }
0xc0: {  	_ =	task.clear_ibuf [dreg:s22], $0x5FFFF;
	_ =	strace $0x90000049  }
0xc1: {  	s29 =	simm.s32 $0xA;
	_ =	strace $0x8000004B  }
0xc2: {  	_ =	swait.ge [sflag:s29], $0x1  }
0xc3: {  	[sflag:s29] =	ssyncadd.s32 $0xFFFFFFFF  }
0xc4: {  	_ =	strace $0x9000004B  }
0xc5: {  	_ =	sfence  }
0xc6: {  	s30 =	sld [smem:$0x0];
	_ =	sdelay $0x2  }
0xc7: {  	s31 =	sshll.u32 s1, $0xD;
	s1 =	sshrl.u32 s1, $0x2  }
0xc8: {  	s4 =	sand.u32 $0x4000, s31;
	s1 =	sadd.s32 s1, s30  }
0xc9: {  	s0 =	sor.u32 s4, s0;
	s1 =	sshll.u32 s1, $0x11  }
0xca: {  	s0 =	sor.u32 s1, s0  }
0xcb: {  	s0 =	sadd.s32 $0x8F2B, s0  }
0xcc: {  	[sflag:s0] =	ssyncadd.remote.s32 $0x1  }
0xcd: {  	_ =	sfence.sel $0xFFFF  }
0xce: {  	[dreg:$0x0] =	wrdreg $0xFFFFFFFF;
	(pc) =	sbr.abs _section_cstart, $3  }
0xcf: {  	[dreg:$0x1] =	wrdreg $0xFFFFFFFF  }
0xd0: {  	_ =	task.clear_ibuf [dreg:s22], $0x2FFFF;
	_ =	strace $0x9FFFFFFF  }
0xd1: {  	(tm) =	ssettm $0x7FFFFFFF  }
tec
execute0_lowered:
.L_overlay_start_1:
0x0: {  	(tag) =	ssettag $0x1  }
0x1: {  	s0 =	srdreg.scid;
	s4 =	rddreg [dreg:$0x0]  }
0x2: {  	s2 =	rddreg [dreg:$0x1];
	s1 =	stileid.u32;
	s3 =	simm.s32 $0x0  }
0x3: {  	s11 =	simm.s32 $0x1;
	s12 =	simm.s32 $0x800;
	s8 =	smul.u32 $0xC400, s1  }
0x4: {  	s13 =	simm.s32 $0x2;
	s16 =	simm.s32 $0x0;
	s9 =	smul.u32 $0x31000, s1  }
0x5: {  	s5 =	sand.u32 $0x1, s0;
	s0 =	rddreg [dreg:$0x2];
	s10 =	smul.u32 $0x4A0, s1  }
0x6: {  	[smem:$0x7FF] =	sst s3;
	s14 =	sshll.u32 s1, $0x6;
	s6 =	smul.u32 $0x4A00, s5  }
0x7: {  	s7 =	smul.u32 $0xC4000, s5;
	_ =	strace $0x8000004A;
	s5 =	ssub.s32 $0x2, s5  }
0x8: {  	s14 =	sor.u32 $0x1C03, s14;
	s29 =	sshrl.u32 s5, $0x1;
	s15 =	sadd.s32 s8, s2  }
0x9: {  	s30 =	sshrl.u32 s9, $0x2;
	s9 =	simm.s32 $0x3;
	s6 =	sadd.s32 s6, s4  }
0xa: {  	s7 =	sadd.s32 s8, s7;
	s5 =	ssub.s32 s5, s29;
	s8 =	simm.s32 $0x100  }
0xb: {  	s15 =	sshrl.u32 s15, $0x3;
	s7 =	sshrl.u32 s7, $0x3;
	s5 =	smax.u32 s5, $0x1  }
0xc: {  	s31 =	sadd.s32 s10, s6;
	s6 =	sadd.s32 s30, s2;
	s4 =	sadd.s32 s7, s4  }
0xd: {  	v0 =	vimm.f32 $0.0e+00;
	v1 =	vimm.f32 $1.000000000e+00;
	s10 =	simm.s32 $0x80;
	s7 =	sadd.s32 $0x63E00, s31;
	s4 =	sadd.s32 $0xCF200, s4  }
.LBB2_1:
0xe: {  	s17 =	simm.s32 $0x40;
	s18 =	simm.s32 $0x0  }
.LBB2_2:
0xf: {  	p0 =	sne.s32 s17, $0x1BC0;
	[tilespmem:s18+$0x100] =	vst v0;
	s18 =	smov.u32 s17;
	s17 =	sadd.s32 $0x40, s17  }
.Ltmp0:
0x10: {  	(pc) =	sbr.rel @p0 .LBB2_2-.Ltmp0, $2  }
0x11: {  	_ =	sdelay $0x2  }
0x12: {  	s18 =	sshra.s32 s18, $0x2  }
0x13: {  	[tilespmem:s18+$0x100] =	vst v0;
	s17 =	simm.s32 $0x40;
	s18 =	simm.s32 $0x0  }
.LBB2_4:
0x14: {  	p0 =	sne.s32 s17, $0x1FC0;
	[tilespmem:s18+$0x800] =	vst v1;
	s18 =	smov.u32 s17;
	s17 =	sadd.s32 $0x40, s17  }
.Ltmp1:
0x15: {  	(pc) =	sbr.rel @p0 .LBB2_4-.Ltmp1, $2  }
0x16: {  	_ =	sdelay $0x2  }
0x17: {  	s18 =	sshra.s32 s18, $0x2  }
0x18: {  	[tilespmem:s18+$0x800] =	vst v1;
	s17 =	sadd.s32 $0x0, s6  }
0x19: {  	[spmem:s17] =	stream.linear.scatter [tilespmem:s8], [sflag:$0x3], $0x700, $0x38;
	[tilespmem:$0xD400] =	vst v63  }
0x1a: {  	s17 =	simm.s32 $0x1C00;
	_ =	swait.ge [sflag:s9], $0x700  }
.LBB2_6:
0x1b: {  	s18 =	sshra.s32 s17, $0x2;
	[sflag:s9] =	ssyncset.done $0x0;
	p0 =	sne.s32 s17, $0x2F400  }
.Ltmp2:
0x1c: {  	s18 =	sadd.s32 s18, s6;
	[sflag:s9] =	ssyncadd.s32 $0xFFFFF900;
	(pc) =	sbr.rel @p0 .LBB2_6-.Ltmp2, $3  }
0x1d: {  	[spmem:s18] =	stream.linear.scatter [tilespmem:s8], [sflag:$0x3], $0x700, $0x38;
	[tilespmem:$0xD400] =	vst v63  }
0x1e: {  	s17 =	sadd.s32 $0x1C00, s17;
	_ =	sdelay $0x1  }
0x1f: {  	_ =	swait.ge [sflag:s9], $0x700  }
0x20: {  	[sflag:s9] =	ssyncset.done $0x0  }
0x21: {  	[sflag:s9] =	ssyncadd.s32 $0xFFFFF900  }
0x22: {  	s17 =	sadd.s32 $0x0, s7;
	[bflag:$0x0] =	sbarrier.arrive $0xFFFF  }
0x23: {  	[tilespmem:s3], [sflag:$0x1] =	stream.linear.gather [hbm4b:s17+s3], $0x80, $0x38;
	[tilespmem:$0xD400] =	vst v63  }
0x24: {  	s17 =	sadd.s32 $0x10, s17  }
0x25: {  	[tilespmem:s10], [sflag:$0x2] =	stream.linear.gather [hbm4b:s17+s3], $0x80, $0x38;
	[tilespmem:$0xD400] =	vst v63  }
0x26: {  	_ =	swait.ge [sflag:s11], $0x80  }
0x27: {  	[sflag:s11] =	ssyncset.done $0x0  }
0x28: {  	[sflag:s11] =	ssyncadd.s32 $0xFFFFFF80  }
0x29: {  	[spmem:s2] =	stream.indirect.scatter.add.f32 [tilespmem:s12], [sflag:$0x3], $0x10, s3, s10, $0xb8;
	[tilespmem:$0xD400] =	vst v63  }
0x2a: {  	_ =	swait.ge [sflag:s9], $0x800  }
0x2b: {  	[sflag:s9] =	ssyncset.done $0x0  }
0x2c: {  	[sflag:s9] =	ssyncadd.s32 $0xFFFFF800  }
0x2d: {  	_ =	swait.ge [sflag:s13], $0x80  }
0x2e: {  	[sflag:s13] =	ssyncset.done $0x0  }
0x2f: {  	[sflag:s13] =	ssyncadd.s32 $0xFFFFFF80  }
0x30: {  	[spmem:s2] =	stream.indirect.scatter.add.f32 [tilespmem:s12], [sflag:$0x3], $0x10, s10, s10, $0xb8;
	[tilespmem:$0xD400] =	vst v63  }
0x31: {  	_ =	swait.ge [sflag:s9], $0x800  }
0x32: {  	s18 =	simm.s32 $0x40;
	s17 =	simm.s32 $0x20;
	[sflag:s9] =	ssyncset.done $0x0  }
.LBB2_8:
0x33: {  	s19 =	sadd.s32 s17, s7  }
0x34: {  	[sflag:s9] =	ssyncadd.s32 $0xFFFFF800;
	s17 =	smov.u32 s18;
	s20 =	sadd.s32 $0x20, s18  }
0x35: {  	[tilespmem:s3], [sflag:$0x1] =	stream.linear.gather [hbm4b:s19+s3], $0x80, $0x38;
	[tilespmem:$0xD400] =	vst v63  }
0x36: {  	p0 =	sne.s32 s18, $0x480;
	s18 =	sadd.s32 $0x10, s19  }
0x37: {  	[tilespmem:s10], [sflag:$0x2] =	stream.linear.gather [hbm4b:s18+s3], $0x80, $0x38;
	[tilespmem:$0xD400] =	vst v63  }
0x38: {  	_ =	swait.ge [sflag:s11], $0x80  }
0x39: {  	[sflag:s11] =	ssyncset.done $0x0  }
0x3a: {  	[sflag:s11] =	ssyncadd.s32 $0xFFFFFF80  }
0x3b: {  	[spmem:s2] =	stream.indirect.scatter.add.f32 [tilespmem:s12], [sflag:$0x3], $0x10, s3, s10, $0xb8;
	[tilespmem:$0xD400] =	vst v63  }
0x3c: {  	_ =	swait.ge [sflag:s9], $0x800  }
0x3d: {  	[sflag:s9] =	ssyncset.done $0x0  }
0x3e: {  	[sflag:s9] =	ssyncadd.s32 $0xFFFFF800  }
0x3f: {  	_ =	swait.ge [sflag:s13], $0x80  }
.Ltmp3:
0x40: {  	[sflag:s13] =	ssyncset.done $0x0;
	(pc) =	sbr.rel @p0 .LBB2_8-.Ltmp3, $4  }
0x41: {  	[sflag:s13] =	ssyncadd.s32 $0xFFFFFF80  }
0x42: {  	[spmem:s2] =	stream.indirect.scatter.add.f32 [tilespmem:s12], [sflag:$0x3], $0x10, s10, s10, $0xb8;
	[tilespmem:$0xD400] =	vst v63  }
0x43: {  	_ =	swait.ge [sflag:s9], $0x800  }
0x44: {  	s18 =	smov.u32 s20;
	[sflag:s9] =	ssyncset.done $0x0  }
0x45: {  	s17 =	sadd.s32 s17, s7;
	[sflag:s9] =	ssyncadd.s32 $0xFFFFF800  }
0x46: {  	[tilespmem:s3], [sflag:$0x1] =	stream.linear.gather [hbm4b:s17+s3], $0x80, $0x38;
	[tilespmem:$0xD400] =	vst v63  }
0x47: {  	s17 =	sadd.s32 $0x10, s17  }
0x48: {  	[tilespmem:s10], [sflag:$0x2] =	stream.linear.gather [hbm4b:s17+s3], $0x80, $0x38;
	[tilespmem:$0xD400] =	vst v63  }
0x49: {  	_ =	swait.ge [sflag:s11], $0x80  }
0x4a: {  	[sflag:s11] =	ssyncset.done $0x0  }
0x4b: {  	[sflag:s11] =	ssyncadd.s32 $0xFFFFFF80  }
0x4c: {  	[spmem:s2] =	stream.indirect.scatter.add.f32 [tilespmem:s12], [sflag:$0x3], $0x10, s3, s10, $0xb8;
	[tilespmem:$0xD400] =	vst v63  }
0x4d: {  	_ =	swait.ge [sflag:s9], $0x800  }
0x4e: {  	[sflag:s9] =	ssyncset.done $0x0  }
0x4f: {  	[sflag:s9] =	ssyncadd.s32 $0xFFFFF800  }
0x50: {  	_ =	swait.ge [sflag:s13], $0x80  }
0x51: {  	[sflag:s13] =	ssyncset.done $0x0  }
0x52: {  	[sflag:s13] =	ssyncadd.s32 $0xFFFFFF80  }
0x53: {  	[spmem:s2] =	stream.indirect.scatter.add.f32 [tilespmem:s12], [sflag:$0x3], $0x10, s10, s10, $0xb8;
	[tilespmem:$0xD400] =	vst v63  }
0x54: {  	_ =	swait.ge [sflag:s9], $0x800  }
0x55: {  	s16 =	sadd.s32 $0x1, s16;
	[sflag:s9] =	ssyncset.done $0x0  }
0x56: {  	p0 =	sne.s32 s16, s5;
	[sflag:s9] =	ssyncadd.s32 $0xFFFFF800  }
.Ltmp4:
0x57: {  	[bflag:$0x0] =	sbarrier.arrive $0xFFFF;
	(pc) =	sbr.rel @p0 .LBB2_1-.Ltmp4, $4  }
0x58: {  	[hbm:s4], [sflag:s14] =	dma.local [spmem:s15], $0x1880  }
0x59: {  	_ =	swait.ge [sflag:s9], $0x1880  }
0x5a: {  	[sflag:s9] =	ssyncset.done $0x0  }
0x5b: {  	[sflag:s9] =	ssyncadd.s32 $0xFFFFE780  }
0x5c: {  	_ =	sfence.sel $0x180000  }
0x5d: {  	[bflag:$0x0] =	sbarrier.arrive $0xFFFF  }
0x5e: {  	p0 =	sne.s32 s1, $0x0;
	_ =	strace $0x9000004A  }
0x5f: {  	s0 =	sadd.s32 @!p0 $0x100000, s0;
	[bflag:$0x2] =	sbarrier.arrive $0xFFFF  }
0x60: {  	[sflag:s0] =	ssyncadd.tile.s32 @!p0 $0x1;
	_ =	shalt  }
.Lfunc_end2:
_tile_overlayer_lowered:
.L_overlay_start_2:
0x61: {  	(tag) =	ssettag $0x2  }
0x62: {  	s0 =	rddreg [dreg:$0x0];
	s2 =	stileid.u32  }
0x63: {  	s1 =	rddreg [dreg:$0x1];
	p0 =	sne.s32 s2, $0x0  }
0x64: {  	s3 =	rddreg [dreg:$0x2];
	[bflag:$0x3] =	sbarrier.arrive $0xFFFF;
	s2 =	simm.s32 @!p0 $0x1C03  }
0x65: {  	[timem:s3], [sflag:s2] =	dma.local @!p0 [hbm:s0], s1  }
0x66: {  	s0 =	simm.s32 @!p0 $0x3  }
0x67: {  	_ =	swait.ge @!p0 [sflag:s0], s1  }
0x68: {  	s1 =	ssub.s32 @!p0 $0x0, s1;
	[sflag:s0] =	ssyncset.done @!p0 $0x0  }
0x69: {  	[sflag:s0] =	ssyncadd.s32 @!p0 s1  }
0x6a: {  	[bflag:$0x3] =	sbarrier.arrive $0xFFFF  }
0x6b: {  	_ =	shalt  }

</sc_bundles>
